<compile_context>
chip_gen: v7x
topology: tpu7x:2x2x1
jax: 0.10.2.dev20260603
libtpu: 0.0.44.dev20260713+nightly
codegen_flags: <defaults>
</compile_context>

<pallas_src>
import functools

import jax
import jax.numpy as jnp
from jax import lax
from jax.experimental import pallas as pl
from jax.experimental.pallas import tpu as pltpu
from jax.experimental.pallas import tpu_sc as plsc

N = 10000
E = 320000
D = 128
NC = 2
NS = 16
NW = NC * NS
EPW = E // NW
CH = 80
NCH = EPW // CH
NP = 10240
RP = NP // NS

_mesh = plsc.VectorSubcoreMesh(core_axis_name="c", subcore_axis_name="s")


def _wid():
    return lax.axis_index("s") * NC + lax.axis_index("c")



@functools.partial(
    pl.kernel,
    out_type=jax.ShapeDtypeStruct((NW * N,), jnp.float32),
    mesh=_mesh,
    compiler_params=pltpu.CompilerParams(needs_layout_passes=False),
    scratch_types=[pltpu.VMEM((EPW,), jnp.int32),
                   pltpu.VMEM((N,), jnp.float32)],
)
def _sc_degree(col_hbm, degp_hbm, col_v, hist_v):
    wid = _wid()
    pltpu.sync_copy(col_hbm.at[pl.ds(wid * EPW, EPW)], col_v)

    def zbody(i, c):
        hist_v[pl.ds(i * 16, 16)] = jnp.zeros((16,), jnp.float32)
        return c
    lax.fori_loop(0, N // 16, zbody, 0)

    ones = jnp.ones((16,), jnp.float32)

    def body(i, c):
        idx = col_v[pl.ds(i * 16, 16)]
        plsc.addupdate_scatter(hist_v, [idx], ones)
        return c
    lax.fori_loop(0, EPW // 16, body, 0)
    pltpu.sync_copy(hist_v, degp_hbm.at[pl.ds(wid * N, N)])


@functools.partial(
    pl.kernel,
    out_type=jax.ShapeDtypeStruct((E,), jnp.float32),
    mesh=_mesh,
    compiler_params=pltpu.CompilerParams(needs_layout_passes=False),
    scratch_types=[pltpu.VMEM((N,), jnp.float32),
                   pltpu.VMEM((EPW,), jnp.int32),
                   pltpu.VMEM((EPW,), jnp.float32)],
)
def _sc_drow(row_hbm, dinv_hbm, drow_hbm, dv, rowi, dro):
    wid = _wid()
    pltpu.sync_copy(dinv_hbm, dv)
    pltpu.sync_copy(row_hbm.at[pl.ds(wid * EPW, EPW)], rowi)

    def body(i, c):
        idx = rowi[pl.ds(i * 16, 16)]
        dro[pl.ds(i * 16, 16)] = plsc.load_gather(dv, [idx])
        return c
    lax.fori_loop(0, EPW // 16, body, 0)
    pltpu.sync_copy(dro, drow_hbm.at[pl.ds(wid * EPW, EPW)])


def _make_sc_scatter(gather_mode, W):

    @functools.partial(
        pl.kernel,
        out_type=jax.ShapeDtypeStruct((NC * NP, W), jnp.float32),
        mesh=_mesh,
        compiler_params=pltpu.CompilerParams(
            needs_layout_passes=False,
            use_tc_tiling_on_sc=gather_mode),
        scratch_types=[pltpu.VMEM((NCH, CH), jnp.int32),
                       pltpu.VMEM((NCH, CH), jnp.int32),
                       pltpu.VMEM((CH, W), jnp.float32),
                       pltpu.VMEM_SHARED((NP, W), jnp.float32),
                       pltpu.SemaphoreType.DMA],
    )
    def _sc_scatter(src_hbm, row2_hbm, col2_hbm, zeros_hbm, out_hbm,
                    rowi_v, coli_v, rows_v, acc_sh, sem):
        cid = lax.axis_index("c")
        sid = lax.axis_index("s")
        wid = sid * NC + cid
        if gather_mode:
            pltpu.sync_copy(row2_hbm.at[wid], rowi_v)
        pltpu.sync_copy(col2_hbm.at[wid], coli_v)
        pltpu.sync_copy(zeros_hbm, acc_sh.at[pl.ds(sid * RP, RP)])
        plsc.subcore_barrier()

        def body(i, c):
            if gather_mode:
                pltpu.async_copy(src_hbm.at[rowi_v.at[i]], rows_v, sem).wait()
            else:
                pltpu.sync_copy(src_hbm.at[pl.ds(wid * EPW + i * CH, CH)],
                                rows_v)
            pltpu.sync_copy(rows_v, acc_sh.at[coli_v.at[i]], add=True)
            return c
        lax.fori_loop(0, NCH, body, 0)
        plsc.subcore_barrier()
        pltpu.sync_copy(acc_sh.at[pl.ds(sid * RP, RP)],
                        out_hbm.at[pl.ds(cid * NP + sid * RP, RP)])

    return _sc_scatter


_sc_scatter_gather = _make_sc_scatter(True, D)
_sc_scatter_linear = _make_sc_scatter(False, 16)



BN = 2000
BE = 2000


def _tc_dinv_body(degp_ref, dinv_ref):
    deg = jnp.sum(degp_ref[...], axis=0)
    dinv_ref[...] = jnp.where(deg > 0, lax.rsqrt(deg), 0.0)[None, :]


def _tc_dinv(degp):
    return pl.pallas_call(
        _tc_dinv_body,
        out_shape=jax.ShapeDtypeStruct((1, N), jnp.float32),
    )(degp)


def _tc_ws_body(ea_ref, dr_ref, ws_ref):
    ws_ref[...] = ea_ref[...] * dr_ref[...]


def _tc_ws(edge_attr, drow):
    return pl.pallas_call(
        _tc_ws_body,
        grid=(E // BE,),
        in_specs=[pl.BlockSpec((BE, 16), lambda i: (i, 0)),
                  pl.BlockSpec((BE, 1), lambda i: (i, 0))],
        out_specs=pl.BlockSpec((BE, 16), lambda i: (i, 0)),
        out_shape=jax.ShapeDtypeStruct((E, 16), jnp.float32),
    )(edge_attr, drow.reshape(E, 1))


def _tc_lin_body(h_ref, wt_ref, b_ref, dinv_ref, xp_ref, y_ref):
    xp = jnp.dot(h_ref[...], wt_ref[...],
                 preferred_element_type=jnp.float32) + b_ref[...]
    xp_ref[...] = xp
    y_ref[...] = xp * dinv_ref[...]


def _tc_lin(h, Wt, b2, dinvc):
    return pl.pallas_call(
        _tc_lin_body,
        grid=(N // BN,),
        in_specs=[pl.BlockSpec((BN, D), lambda i: (i, 0)),
                  pl.BlockSpec((D, D), lambda i: (0, 0)),
                  pl.BlockSpec((1, D), lambda i: (0, 0)),
                  pl.BlockSpec((BN, 1), lambda i: (i, 0))],
        out_specs=[pl.BlockSpec((BN, D), lambda i: (i, 0)),
                   pl.BlockSpec((BN, D), lambda i: (i, 0))],
        out_shape=[jax.ShapeDtypeStruct((N, D), jnp.float32),
                   jax.ShapeDtypeStruct((N, D), jnp.float32)],
    )(h, Wt, b2, dinvc)


def _tc_comb_lin_body(a_ref, bp_ref, emb_ref, xp_ref, dinv_ref, wt_ref,
                      b_ref, xpo_ref, y_ref):
    s = a_ref[0] + a_ref[1] + jnp.dot(bp_ref[0] + bp_ref[1], emb_ref[...],
                                      preferred_element_type=jnp.float32)
    h = jnp.maximum(dinv_ref[...] * s + xp_ref[...], 0.0)
    xp = jnp.dot(h, wt_ref[...],
                 preferred_element_type=jnp.float32) + b_ref[...]
    xpo_ref[...] = xp
    y_ref[...] = xp * dinv_ref[...]


def _tc_comb_lin(apart, bpart, emb_ea, xp, dinvc, Wt, b2):
    return pl.pallas_call(
        _tc_comb_lin_body,
        grid=(N // BN,),
        in_specs=[pl.BlockSpec((2, BN, D), lambda i: (0, i, 0)),
                  pl.BlockSpec((2, BN, 16), lambda i: (0, i, 0)),
                  pl.BlockSpec((16, D), lambda i: (0, 0)),
                  pl.BlockSpec((BN, D), lambda i: (i, 0)),
                  pl.BlockSpec((BN, 1), lambda i: (i, 0)),
                  pl.BlockSpec((D, D), lambda i: (0, 0)),
                  pl.BlockSpec((1, D), lambda i: (0, 0))],
        out_specs=[pl.BlockSpec((BN, D), lambda i: (i, 0)),
                   pl.BlockSpec((BN, D), lambda i: (i, 0))],
        out_shape=[jax.ShapeDtypeStruct((N, D), jnp.float32),
                   jax.ShapeDtypeStruct((N, D), jnp.float32)],
    )(apart, bpart, emb_ea, xp, dinvc, Wt, b2)


def _tc_final_body(a_ref, bp_ref, emb_ref, xp_ref, dinv_ref, o_ref):
    s = a_ref[0] + a_ref[1] + jnp.dot(bp_ref[0] + bp_ref[1], emb_ref[...],
                                      preferred_element_type=jnp.float32)
    o_ref[...] = dinv_ref[...] * s + xp_ref[...]


def _tc_final(apart, bpart, emb_ea, xp, dinvc):
    return pl.pallas_call(
        _tc_final_body,
        grid=(N // BN,),
        in_specs=[pl.BlockSpec((2, BN, D), lambda i: (0, i, 0)),
                  pl.BlockSpec((2, BN, 16), lambda i: (0, i, 0)),
                  pl.BlockSpec((16, D), lambda i: (0, 0)),
                  pl.BlockSpec((BN, D), lambda i: (i, 0)),
                  pl.BlockSpec((BN, 1), lambda i: (i, 0))],
        out_specs=pl.BlockSpec((BN, D), lambda i: (i, 0)),
        out_shape=jax.ShapeDtypeStruct((N, D), jnp.float32),
    )(apart, bpart, emb_ea, xp, dinvc)



def kernel(x, adj_t, edge_attr, emb_ea, W0, b0, W1, b1, W2, b2):
    row = adj_t[0]
    col = adj_t[1]
    row2 = row.reshape(NW, NCH, CH)
    col2 = col.reshape(NW, NCH, CH)
    zeros = jnp.zeros((RP, D), jnp.float32)
    zeros16 = jnp.zeros((RP, 16), jnp.float32)

    degp = _sc_degree(col).reshape(NW, N)
    dinv2 = _tc_dinv(degp)
    dinv = dinv2.reshape(N)
    dinvc = dinv2.reshape(N, 1)

    drow = _sc_drow(row, dinv)
    ws = _tc_ws(edge_attr, drow)
    bpart = _sc_scatter_linear(ws, row2, col2, zeros16).reshape(NC, NP, 16)

    xp, y = _tc_lin(x, W0.T, b0.reshape(1, D), dinvc)
    for Wl, bl in ((W1, b1), (W2, b2)):
        apart = _sc_scatter_gather(y, row2, col2, zeros).reshape(NC, NP, D)
        xp, y = _tc_comb_lin(apart, bpart, emb_ea, xp, dinvc, Wl.T,
                             bl.reshape(1, D))
    apart = _sc_scatter_gather(y, row2, col2, zeros).reshape(NC, NP, D)
    return _tc_final(apart, bpart, emb_ea, xp, dinvc)

# --- scband reference (transcript-rebuilt; emitter-appended) ---
"""Pipeline reference for scband-generative-gnn-22574348108073 (READ-ONLY COPY).

The authoritative reference and input builder live on the scoring server;
editing this copy changes nothing except your own understanding.
"""

import jax, jax.numpy as jnp
import numpy as np

N = 10000
E = 320000
D_IN = 128
D_H = 128
D_OUT = 128
D_E = 16


def _gcn_layer(x, row, col, edge_attr, W, b, n_nodes):
    # torch nn.Linear: y = x @ W.T + b
    x = x @ W.T + b
    ones = jnp.ones((row.shape[0],), dtype=x.dtype)
    deg = jax.ops.segment_sum(ones, col, num_segments=n_nodes)
    deg_inv_sqrt = jnp.where(deg > 0, deg ** -0.5, 0.0)
    norm = deg_inv_sqrt[row] * deg_inv_sqrt[col]
    msg = norm[:, None] * (x[row] + edge_attr)
    out = jax.ops.segment_sum(msg, col, num_segments=n_nodes)
    return out + x


def setup_inputs(seed: int = 0) -> dict:
    key = jax.random.key(seed)
    ks = jax.random.split(key, 12)
    x = jax.random.normal(ks[0], (N, D_IN), dtype=jnp.float32)
    adj_t = jax.random.randint(ks[1], (2, E), 0, N).astype(jnp.int32)
    edge_attr = jax.random.normal(ks[2], (E, D_E), dtype=jnp.float32)
    emb_ea = jax.random.normal(ks[3], (D_E, D_H), dtype=jnp.float32)
    s0 = 1.0 / np.sqrt(D_IN)
    s1 = 1.0 / np.sqrt(D_H)
    W0 = jax.random.uniform(ks[4], (D_H, D_IN), jnp.float32, -s0, s0)
    b0 = jax.random.uniform(ks[5], (D_H,), jnp.float32, -s0, s0)
    W1 = jax.random.uniform(ks[6], (D_H, D_H), jnp.float32, -s1, s1)
    b1 = jax.random.uniform(ks[7], (D_H,), jnp.float32, -s1, s1)
    W2 = jax.random.uniform(ks[8], (D_OUT, D_H), jnp.float32, -s1, s1)
    b2 = jax.random.uniform(ks[9], (D_OUT,), jnp.float32, -s1, s1)
    return {"x": x, "adj_t": adj_t, "edge_attr": edge_attr, "emb_ea": emb_ea,
            "W0": W0, "b0": b0, "W1": W1, "b1": b1, "W2": W2, "b2": b2}


def reference(x, adj_t, edge_attr, emb_ea, W0, b0, W1, b1, W2, b2):
    # eval mode: dropout is identity
    ea = edge_attr @ emb_ea
    row = adj_t[0]
    col = adj_t[1]
    h = _gcn_layer(x, row, col, ea, W0, b0, N)
    h = jax.nn.relu(h)
    h = _gcn_layer(h, row, col, ea, W1, b1, N)
    h = jax.nn.relu(h)
    h = _gcn_layer(h, row, col, ea, W2, b2, N)
    return h

if __name__ == "__main__":
    import jax
    _d = setup_inputs()
    print(jax.jit(kernel)(*tuple(_d.values())))

</pallas_src>

<mosaic_0001>
#map = affine_map<(d0, d1) -> (0)>
module attributes {stable_mosaic.version = 14 : i64} {
  func.func @_sc_drow(%arg0: i32, %arg1: i32, %arg2: memref<320000xi32, #tpu.memory_space<hbm>>, %arg3: memref<10000xf32, #tpu.memory_space<hbm>>, %arg4: memref<320000xf32, #tpu.memory_space<hbm>>, %arg5: memref<10000xf32, #tpu.memory_space<vmem>>, %arg6: memref<10000xi32, #tpu.memory_space<vmem>>, %arg7: memref<10000xf32, #tpu.memory_space<vmem>>) attributes {dimension_semantics = [#tpu.dimension_semantics<core_parallel>, #tpu.dimension_semantics<subcore_parallel>], iteration_bounds = array<i64: 2, 16>, scalar_prefetch = 0 : i64, scratch_operands = 3 : i64, tpu.core_type = #tpu.core_type<sc_vector_subcore>, window_params = [{transform_indices = #map}, {transform_indices = #map}, {transform_indices = #map}]} {
    %mul3A = arith.constant 2 : i32
    %mul3A_0 = arith.muli %arg1, %mul3A : i32
    %add3A = arith.addi %mul3A_0, %arg0 : i32
    "tpu.region"() ({
      %run_scoped3A = tpu.sem_alloc : memref<!tpu.dma_semaphore, #tpu.memory_space<semaphore_mem>>
      tpu.enqueue_dma source(%arg3 : memref<10000xf32, #tpu.memory_space<hbm>>) target(%arg5 : memref<10000xf32, #tpu.memory_space<vmem>>) target_semaphore(%run_scoped3A : memref<!tpu.dma_semaphore, #tpu.memory_space<semaphore_mem>>)
      tpu.wait_dma2 semaphore(%run_scoped3A : memref<!tpu.dma_semaphore, #tpu.memory_space<semaphore_mem>>) src(%arg3 : memref<10000xf32, #tpu.memory_space<hbm>>) dst(%arg5 : memref<10000xf32, #tpu.memory_space<vmem>>)
      tpu.yield
    }) : () -> ()
    %mul3A_1 = arith.constant 10000 : i32
    %mul3A_2 = arith.muli %add3A, %mul3A_1 : i32
    "tpu.region"() ({
      %run_scoped3A = tpu.sem_alloc : memref<!tpu.dma_semaphore, #tpu.memory_space<semaphore_mem>>
      %dma_start3A = tpu.memref_slice %arg2[%mul3A_2] : memref<320000xi32, #tpu.memory_space<hbm>> -> memref<10000xi32, #tpu.memory_space<hbm>>
      %dma_start3A_10 = tpu.memref_slice %arg2[%mul3A_2] : memref<320000xi32, #tpu.memory_space<hbm>> -> memref<10000xi32, #tpu.memory_space<hbm>>
      tpu.enqueue_dma source(%dma_start3A_10 : memref<10000xi32, #tpu.memory_space<hbm>>) target(%arg6 : memref<10000xi32, #tpu.memory_space<vmem>>) target_semaphore(%run_scoped3A : memref<!tpu.dma_semaphore, #tpu.memory_space<semaphore_mem>>)
      %dma_wait3A = tpu.memref_slice %arg2[%mul3A_2] : memref<320000xi32, #tpu.memory_space<hbm>> -> memref<10000xi32, #tpu.memory_space<hbm>>
      %dma_wait3A_11 = tpu.memref_slice %arg2[%mul3A_2] : memref<320000xi32, #tpu.memory_space<hbm>> -> memref<10000xi32, #tpu.memory_space<hbm>>
      tpu.wait_dma2 semaphore(%run_scoped3A : memref<!tpu.dma_semaphore, #tpu.memory_space<semaphore_mem>>) src(%dma_wait3A_11 : memref<10000xi32, #tpu.memory_space<hbm>>) dst(%arg6 : memref<10000xi32, #tpu.memory_space<vmem>>)
      tpu.yield
    }) : () -> ()
    %scan3A = arith.constant 0 : i32
    %scan3A_3 = arith.constant 0 : i32
    %scan3A_4 = arith.constant 625 : i32
    %scan3A_5 = arith.addi %scan3A_3, %scan3A_4 : i32
    %scan3A_6 = arith.constant 1 : i32
    scf.for %scan3A_10 = %scan3A_3 to %scan3A_5 step %scan3A_6  : i32 {
      %mul3A_11 = arith.constant 16 : i32
      %mul3A_12 = arith.muli %scan3A_10, %mul3A_11 : i32
      %get3A = arith.index_cast %mul3A_12 : i32 to index
      %get3A_13 = tpu.vector_load %arg6[%get3A] {strides = array<i32>} : memref<10000xi32, #tpu.memory_space<vmem>>, vector<16xi32>,
      %gather3A = tpu.vector_load_idx %arg5[%get3A_13] : memref<10000xf32, #tpu.memory_space<vmem>>[vector<16xi32>], vector<16xf32>,
      %mul3A_14 = arith.constant 16 : i32
      %mul3A_15 = arith.muli %scan3A_10, %mul3A_14 : i32
      %swap3A = arith.index_cast %mul3A_15 : i32 to index
      %swap3A_16 = tpu.vector_load %arg7[%swap3A] {strides = array<i32>} : memref<10000xf32, #tpu.memory_space<vmem>>, vector<16xf32>,
      tpu.vector_store %arg7[%swap3A], %gather3A {strides = array<i32>} : memref<10000xf32, #tpu.memory_space<vmem>>, vector<16xf32>,
    }
    %scan3A_7 = arith.constant 625 : i32
    %mul3A_8 = arith.constant 10000 : i32
    %mul3A_9 = arith.muli %add3A, %mul3A_8 : i32
    "tpu.region"() ({
      %run_scoped3A = tpu.sem_alloc : memref<!tpu.dma_semaphore, #tpu.memory_space<semaphore_mem>>
      %dma_start3A = tpu.memref_slice %arg4[%mul3A_9] : memref<320000xf32, #tpu.memory_space<hbm>> -> memref<10000xf32, #tpu.memory_space<hbm>>
      %dma_start3A_10 = tpu.memref_slice %arg4[%mul3A_9] : memref<320000xf32, #tpu.memory_space<hbm>> -> memref<10000xf32, #tpu.memory_space<hbm>>
      tpu.enqueue_dma source(%arg7 : memref<10000xf32, #tpu.memory_space<vmem>>) target(%dma_start3A_10 : memref<10000xf32, #tpu.memory_space<hbm>>) target_semaphore(%run_scoped3A : memref<!tpu.dma_semaphore, #tpu.memory_space<semaphore_mem>>)
      %dma_wait3A = tpu.memref_slice %arg4[%mul3A_9] : memref<320000xf32, #tpu.memory_space<hbm>> -> memref<10000xf32, #tpu.memory_space<hbm>>
      %dma_wait3A_11 = tpu.memref_slice %arg4[%mul3A_9] : memref<320000xf32, #tpu.memory_space<hbm>> -> memref<10000xf32, #tpu.memory_space<hbm>>
      tpu.wait_dma2 semaphore(%run_scoped3A : memref<!tpu.dma_semaphore, #tpu.memory_space<semaphore_mem>>) src(%arg7 : memref<10000xf32, #tpu.memory_space<vmem>>) dst(%dma_wait3A_11 : memref<10000xf32, #tpu.memory_space<hbm>>)
      tpu.yield
    }) : () -> ()
    return
  }
}

#map = affine_map<(d0, d1) -> (0)>
module attributes {stable_mosaic.version = 14 : i64} {
  func.func @_sc_degree(%arg0: i32, %arg1: i32, %arg2: memref<320000xi32, #tpu.memory_space<hbm>>, %arg3: memref<320000xf32, #tpu.memory_space<hbm>>, %arg4: memref<10000xi32, #tpu.memory_space<vmem>>, %arg5: memref<10000xf32, #tpu.memory_space<vmem>>) attributes {dimension_semantics = [#tpu.dimension_semantics<core_parallel>, #tpu.dimension_semantics<subcore_parallel>], iteration_bounds = array<i64: 2, 16>, scalar_prefetch = 0 : i64, scratch_operands = 2 : i64, tpu.core_type = #tpu.core_type<sc_vector_subcore>, window_params = [{transform_indices = #map}, {transform_indices = #map}]} {
    %mul3A = arith.constant 2 : i32
    %mul3A_0 = arith.muli %arg1, %mul3A : i32
    %add3A = arith.addi %mul3A_0, %arg0 : i32
    %mul3A_1 = arith.constant 10000 : i32
    %mul3A_2 = arith.muli %add3A, %mul3A_1 : i32
    "tpu.region"() ({
      %run_scoped3A = tpu.sem_alloc : memref<!tpu.dma_semaphore, #tpu.memory_space<semaphore_mem>>
      %dma_start3A = tpu.memref_slice %arg2[%mul3A_2] : memref<320000xi32, #tpu.memory_space<hbm>> -> memref<10000xi32, #tpu.memory_space<hbm>>
      %dma_start3A_17 = tpu.memref_slice %arg2[%mul3A_2] : memref<320000xi32, #tpu.memory_space<hbm>> -> memref<10000xi32, #tpu.memory_space<hbm>>
      tpu.enqueue_dma source(%dma_start3A_17 : memref<10000xi32, #tpu.memory_space<hbm>>) target(%arg4 : memref<10000xi32, #tpu.memory_space<vmem>>) target_semaphore(%run_scoped3A : memref<!tpu.dma_semaphore, #tpu.memory_space<semaphore_mem>>)
      %dma_wait3A = tpu.memref_slice %arg2[%mul3A_2] : memref<320000xi32, #tpu.memory_space<hbm>> -> memref<10000xi32, #tpu.memory_space<hbm>>
      %dma_wait3A_18 = tpu.memref_slice %arg2[%mul3A_2] : memref<320000xi32, #tpu.memory_space<hbm>> -> memref<10000xi32, #tpu.memory_space<hbm>>
      tpu.wait_dma2 semaphore(%run_scoped3A : memref<!tpu.dma_semaphore, #tpu.memory_space<semaphore_mem>>) src(%dma_wait3A_18 : memref<10000xi32, #tpu.memory_space<hbm>>) dst(%arg4 : memref<10000xi32, #tpu.memory_space<vmem>>)
      tpu.yield
    }) : () -> ()
    %scan3A = arith.constant 0 : i32
    %scan3A_3 = arith.constant 0 : i32
    %scan3A_4 = arith.constant 625 : i32
    %scan3A_5 = arith.addi %scan3A_3, %scan3A_4 : i32
    %scan3A_6 = arith.constant 1 : i32
    scf.for %scan3A_17 = %scan3A_3 to %scan3A_5 step %scan3A_6  : i32 {
      %broadcast_in_dim3A_18 = arith.constant 0.000000e+00 : f32
      %broadcast_in_dim3A_19 = vector.broadcast %broadcast_in_dim3A_18 : f32 to vector<16xf32>
      %mul3A_20 = arith.constant 16 : i32
      %mul3A_21 = arith.muli %scan3A_17, %mul3A_20 : i32
      %swap3A = arith.index_cast %mul3A_21 : i32 to index
      %swap3A_22 = tpu.vector_load %arg5[%swap3A] {strides = array<i32>} : memref<10000xf32, #tpu.memory_space<vmem>>, vector<16xf32>,
      tpu.vector_store %arg5[%swap3A], %broadcast_in_dim3A_19 {strides = array<i32>} : memref<10000xf32, #tpu.memory_space<vmem>>, vector<16xf32>,
    }
    %scan3A_7 = arith.constant 625 : i32
    %broadcast_in_dim3A = arith.constant 1.000000e+00 : f32
    %broadcast_in_dim3A_8 = vector.broadcast %broadcast_in_dim3A : f32 to vector<16xf32>
    %scan3A_9 = arith.constant 0 : i32
    %scan3A_10 = arith.constant 0 : i32
    %scan3A_11 = arith.constant 625 : i32
    %scan3A_12 = arith.addi %scan3A_10, %scan3A_11 : i32
    %scan3A_13 = arith.constant 1 : i32
    scf.for %scan3A_17 = %scan3A_10 to %scan3A_12 step %scan3A_13  : i32 {
      %mul3A_18 = arith.constant 16 : i32
      %mul3A_19 = arith.muli %scan3A_17, %mul3A_18 : i32
      %get3A = arith.index_cast %mul3A_19 : i32 to index
      %get3A_20 = tpu.vector_load %arg4[%get3A] {strides = array<i32>} : memref<10000xi32, #tpu.memory_space<vmem>>, vector<16xi32>,
      tpu.vector_store_idx %arg5[%get3A_20], %broadcast_in_dim3A_8 {add = true} : memref<10000xf32, #tpu.memory_space<vmem>>[vector<16xi32>], vector<16xf32>,
    }
    %scan3A_14 = arith.constant 625 : i32
    %mul3A_15 = arith.constant 10000 : i32
    %mul3A_16 = arith.muli %add3A, %mul3A_15 : i32
    "tpu.region"() ({
      %run_scoped3A = tpu.sem_alloc : memref<!tpu.dma_semaphore, #tpu.memory_space<semaphore_mem>>
      %dma_start3A = tpu.memref_slice %arg3[%mul3A_16] : memref<320000xf32, #tpu.memory_space<hbm>> -> memref<10000xf32, #tpu.memory_space<hbm>>
      %dma_start3A_17 = tpu.memref_slice %arg3[%mul3A_16] : memref<320000xf32, #tpu.memory_space<hbm>> -> memref<10000xf32, #tpu.memory_space<hbm>>
      tpu.enqueue_dma source(%arg5 : memref<10000xf32, #tpu.memory_space<vmem>>) target(%dma_start3A_17 : memref<10000xf32, #tpu.memory_space<hbm>>) target_semaphore(%run_scoped3A : memref<!tpu.dma_semaphore, #tpu.memory_space<semaphore_mem>>)
      %dma_wait3A = tpu.memref_slice %arg3[%mul3A_16] : memref<320000xf32, #tpu.memory_space<hbm>> -> memref<10000xf32, #tpu.memory_space<hbm>>
      %dma_wait3A_18 = tpu.memref_slice %arg3[%mul3A_16] : memref<320000xf32, #tpu.memory_space<hbm>> -> memref<10000xf32, #tpu.memory_space<hbm>>
      tpu.wait_dma2 semaphore(%run_scoped3A : memref<!tpu.dma_semaphore, #tpu.memory_space<semaphore_mem>>) src(%arg5 : memref<10000xf32, #tpu.memory_space<vmem>>) dst(%dma_wait3A_18 : memref<10000xf32, #tpu.memory_space<hbm>>)
      tpu.yield
    }) : () -> ()
    return
  }
}

#map = affine_map<(d0, d1) -> (0, 0)>
#map1 = affine_map<(d0, d1) -> (0, 0, 0)>
module attributes {stable_mosaic.version = 14 : i64} {
  func.func @_sc_scatter(%arg0: i32, %arg1: i32, %arg2: memref<320000x16xf32, #tpu.memory_space<hbm>>, %arg3: memref<32x125x80xi32, #tpu.memory_space<hbm>>, %arg4: memref<32x125x80xi32, #tpu.memory_space<hbm>>, %arg5: memref<640x16xf32, #tpu.memory_space<hbm>>, %arg6: memref<20480x16xf32, #tpu.memory_space<hbm>>, %arg7: memref<125x80xi32, #tpu.memory_space<vmem>>, %arg8: memref<125x80xi32, #tpu.memory_space<vmem>>, %arg9: memref<80x16xf32, #tpu.memory_space<vmem>>, %arg10: memref<10240x16xf32, #tpu.memory_space<vmem_shared>>, %arg11: memref<!tpu.dma_semaphore, #tpu.memory_space<semaphore_mem>>) attributes {dimension_semantics = [#tpu.dimension_semantics<core_parallel>, #tpu.dimension_semantics<subcore_parallel>], iteration_bounds = array<i64: 2, 16>, scalar_prefetch = 0 : i64, scratch_operands = 5 : i64, tpu.core_type = #tpu.core_type<sc_vector_subcore>, window_params = [{transform_indices = #map}, {transform_indices = #map1}, {transform_indices = #map1}, {transform_indices = #map}, {transform_indices = #map}]} {
    %mul3A = arith.constant 2 : i32
    %mul3A_0 = arith.muli %arg1, %mul3A : i32
    %add3A = arith.addi %mul3A_0, %arg0 : i32
    "tpu.region"() ({
      %run_scoped3A = tpu.sem_alloc : memref<!tpu.dma_semaphore, #tpu.memory_space<semaphore_mem>>
      %dma_start3A = arith.constant 0 : i32
      %dma_start3A_16 = arith.constant 0 : i32
      %dma_start3A_17 = tpu.memref_slice %arg4[%add3A, %dma_start3A, %dma_start3A_16] : memref<32x125x80xi32, #tpu.memory_space<hbm>> -> memref<1x125x80xi32, #tpu.memory_space<hbm>>
      %dma_start3A_18 = tpu.memref_squeeze %dma_start3A_17 : memref<1x125x80xi32, #tpu.memory_space<hbm>> -> memref<125x80xi32, #tpu.memory_space<hbm>>
      %dma_start3A_19 = arith.constant 0 : i32
      %dma_start3A_20 = arith.constant 0 : i32
      %dma_start3A_21 = tpu.memref_slice %arg4[%add3A, %dma_start3A_19, %dma_start3A_20] : memref<32x125x80xi32, #tpu.memory_space<hbm>> -> memref<1x125x80xi32, #tpu.memory_space<hbm>>
      %dma_start3A_22 = tpu.memref_squeeze %dma_start3A_21 : memref<1x125x80xi32, #tpu.memory_space<hbm>> -> memref<125x80xi32, #tpu.memory_space<hbm>>
      tpu.enqueue_dma source(%dma_start3A_22 : memref<125x80xi32, #tpu.memory_space<hbm>>) target(%arg8 : memref<125x80xi32, #tpu.memory_space<vmem>>) target_semaphore(%run_scoped3A : memref<!tpu.dma_semaphore, #tpu.memory_space<semaphore_mem>>)
      %dma_wait3A = arith.constant 0 : i32
      %dma_wait3A_23 = arith.constant 0 : i32
      %dma_wait3A_24 = tpu.memref_slice %arg4[%add3A, %dma_wait3A, %dma_wait3A_23] : memref<32x125x80xi32, #tpu.memory_space<hbm>> -> memref<1x125x80xi32, #tpu.memory_space<hbm>>
      %dma_wait3A_25 = tpu.memref_squeeze %dma_wait3A_24 : memref<1x125x80xi32, #tpu.memory_space<hbm>> -> memref<125x80xi32, #tpu.memory_space<hbm>>
      %dma_wait3A_26 = arith.constant 0 : i32
      %dma_wait3A_27 = arith.constant 0 : i32
      %dma_wait3A_28 = tpu.memref_slice %arg4[%add3A, %dma_wait3A_26, %dma_wait3A_27] : memref<32x125x80xi32, #tpu.memory_space<hbm>> -> memref<1x125x80xi32, #tpu.memory_space<hbm>>
      %dma_wait3A_29 = tpu.memref_squeeze %dma_wait3A_28 : memref<1x125x80xi32, #tpu.memory_space<hbm>> -> memref<125x80xi32, #tpu.memory_space<hbm>>
      tpu.wait_dma2 semaphore(%run_scoped3A : memref<!tpu.dma_semaphore, #tpu.memory_space<semaphore_mem>>) src(%dma_wait3A_29 : memref<125x80xi32, #tpu.memory_space<hbm>>) dst(%arg8 : memref<125x80xi32, #tpu.memory_space<vmem>>)
      tpu.yield
    }) : () -> ()
    %mul3A_1 = arith.constant 640 : i32
    %mul3A_2 = arith.muli %arg1, %mul3A_1 : i32
    "tpu.region"() ({
      %run_scoped3A = tpu.sem_alloc : memref<!tpu.dma_semaphore, #tpu.memory_space<semaphore_mem>>
      %dma_start3A = arith.constant 0 : i32
      %dma_start3A_16 = tpu.memref_slice %arg10[%mul3A_2, %dma_start3A] : memref<10240x16xf32, #tpu.memory_space<vmem_shared>> -> memref<640x16xf32, #tpu.memory_space<vmem_shared>>
      tpu.enqueue_dma source(%arg5 : memref<640x16xf32, #tpu.memory_space<hbm>>) target(%dma_start3A_16 : memref<640x16xf32, #tpu.memory_space<vmem_shared>>) target_semaphore(%run_scoped3A : memref<!tpu.dma_semaphore, #tpu.memory_space<semaphore_mem>>)
      %dma_wait3A = arith.constant 0 : i32
      %dma_wait3A_17 = tpu.memref_slice %arg10[%mul3A_2, %dma_wait3A] : memref<10240x16xf32, #tpu.memory_space<vmem_shared>> -> memref<640x16xf32, #tpu.memory_space<vmem_shared>>
      tpu.wait_dma2 semaphore(%run_scoped3A : memref<!tpu.dma_semaphore, #tpu.memory_space<semaphore_mem>>) src(%arg5 : memref<640x16xf32, #tpu.memory_space<hbm>>) dst(%dma_wait3A_17 : memref<640x16xf32, #tpu.memory_space<vmem_shared>>)
      tpu.yield
    }) : () -> ()
    %barrier3A = arith.constant 0 : index
    tpu.barrier barrier_id(%barrier3A)
    %scan3A = arith.constant 0 : i32
    %scan3A_3 = arith.constant 0 : i32
    %scan3A_4 = arith.constant 125 : i32
    %scan3A_5 = arith.addi %scan3A_3, %scan3A_4 : i32
    %scan3A_6 = arith.constant 1 : i32
    scf.for %scan3A_16 = %scan3A_3 to %scan3A_5 step %scan3A_6  : i32 {
      %mul3A_17 = arith.constant 10000 : i32
      %mul3A_18 = arith.muli %add3A, %mul3A_17 : i32
      %mul3A_19 = arith.constant 80 : i32
      %mul3A_20 = arith.muli %scan3A_16, %mul3A_19 : i32
      %add3A_21 = arith.addi %mul3A_18, %mul3A_20 : i32
      "tpu.region"() ({
        %run_scoped3A = tpu.sem_alloc : memref<!tpu.dma_semaphore, #tpu.memory_space<semaphore_mem>>
        %dma_start3A = arith.constant 0 : i32
        %dma_start3A_22 = tpu.memref_slice %arg2[%add3A_21, %dma_start3A] : memref<320000x16xf32, #tpu.memory_space<hbm>> -> memref<80x16xf32, #tpu.memory_space<hbm>>
        %dma_start3A_23 = arith.constant 0 : i32
        %dma_start3A_24 = tpu.memref_slice %arg2[%add3A_21, %dma_start3A_23] : memref<320000x16xf32, #tpu.memory_space<hbm>> -> memref<80x16xf32, #tpu.memory_space<hbm>>
        tpu.enqueue_dma source(%dma_start3A_24 : memref<80x16xf32, #tpu.memory_space<hbm>>) target(%arg9 : memref<80x16xf32, #tpu.memory_space<vmem>>) target_semaphore(%run_scoped3A : memref<!tpu.dma_semaphore, #tpu.memory_space<semaphore_mem>>)
        %dma_wait3A = arith.constant 0 : i32
        %dma_wait3A_25 = tpu.memref_slice %arg2[%add3A_21, %dma_wait3A] : memref<320000x16xf32, #tpu.memory_space<hbm>> -> memref<80x16xf32, #tpu.memory_space<hbm>>
        %dma_wait3A_26 = arith.constant 0 : i32
        %dma_wait3A_27 = tpu.memref_slice %arg2[%add3A_21, %dma_wait3A_26] : memref<320000x16xf32, #tpu.memory_space<hbm>> -> memref<80x16xf32, #tpu.memory_space<hbm>>
        tpu.wait_dma2 semaphore(%run_scoped3A : memref<!tpu.dma_semaphore, #tpu.memory_space<semaphore_mem>>) src(%dma_wait3A_27 : memref<80x16xf32, #tpu.memory_space<hbm>>) dst(%arg9 : memref<80x16xf32, #tpu.memory_space<vmem>>)
        tpu.yield
      }) : () -> ()
      "tpu.region"() ({
        %run_scoped3A = tpu.sem_alloc : memref<!tpu.dma_semaphore, #tpu.memory_space<semaphore_mem>>
        %dma_start3A = arith.constant 0 : i32
        %dma_start3A_22 = tpu.memref_slice %arg8[%scan3A_16, %dma_start3A] : memref<125x80xi32, #tpu.memory_space<vmem>> -> memref<1x80xi32, #tpu.memory_space<vmem>>
        %dma_start3A_23 = tpu.memref_squeeze %dma_start3A_22 : memref<1x80xi32, #tpu.memory_space<vmem>> -> memref<80xi32, #tpu.memory_space<vmem>>
        %dma_start3A_24 = arith.constant 0 : i32
        %dma_start3A_25 = arith.constant 0 : i32
        %dma_start3A_26 = tpu.memref_slice %arg10[%dma_start3A_24, %dma_start3A_25] : memref<10240x16xf32, #tpu.memory_space<vmem_shared>> -> memref<10240x16xf32, #tpu.memory_space<vmem_shared>>
        tpu.enqueue_indirect_dma source(%arg9 : memref<80x16xf32, #tpu.memory_space<vmem>>) target(%dma_start3A_26 : memref<10240x16xf32, #tpu.memory_space<vmem_shared>>) offsets(%dma_start3A_23 : memref<80xi32, #tpu.memory_space<vmem>>) semaphore(%run_scoped3A : memref<!tpu.dma_semaphore, #tpu.memory_space<semaphore_mem>>) {add = true}
        %dma_wait3A = arith.constant 0 : i32
        %dma_wait3A_27 = tpu.memref_slice %arg8[%scan3A_16, %dma_wait3A] : memref<125x80xi32, #tpu.memory_space<vmem>> -> memref<1x80xi32, #tpu.memory_space<vmem>>
        %dma_wait3A_28 = tpu.memref_squeeze %dma_wait3A_27 : memref<1x80xi32, #tpu.memory_space<vmem>> -> memref<80xi32, #tpu.memory_space<vmem>>
        %dma_wait3A_29 = arith.constant 0 : i32
        %dma_wait3A_30 = arith.constant 0 : i32
        %dma_wait3A_31 = tpu.memref_slice %arg10[%dma_wait3A_29, %dma_wait3A_30] : memref<10240x16xf32, #tpu.memory_space<vmem_shared>> -> memref<10240x16xf32, #tpu.memory_space<vmem_shared>>
        tpu.wait_indirect_dma semaphore(%run_scoped3A : memref<!tpu.dma_semaphore, #tpu.memory_space<semaphore_mem>>) src(%arg9 : memref<80x16xf32, #tpu.memory_space<vmem>>) dst(%dma_wait3A_31 : memref<10240x16xf32, #tpu.memory_space<vmem_shared>>)
        tpu.yield
      }) : () -> ()
    }
    %scan3A_7 = arith.constant 125 : i32
    %barrier3A_8 = arith.constant 0 : index
    tpu.barrier barrier_id(%barrier3A_8)
    %mul3A_9 = arith.constant 640 : i32
    %mul3A_10 = arith.muli %arg1, %mul3A_9 : i32
    %mul3A_11 = arith.constant 10240 : i32
    %mul3A_12 = arith.muli %arg0, %mul3A_11 : i32
    %mul3A_13 = arith.constant 640 : i32
    %mul3A_14 = arith.muli %arg1, %mul3A_13 : i32
    %add3A_15 = arith.addi %mul3A_12, %mul3A_14 : i32
    "tpu.region"() ({
      %run_scoped3A = tpu.sem_alloc : memref<!tpu.dma_semaphore, #tpu.memory_space<semaphore_mem>>
      %dma_start3A = arith.constant 0 : i32
      %dma_start3A_16 = tpu.memref_slice %arg6[%add3A_15, %dma_start3A] : memref<20480x16xf32, #tpu.memory_space<hbm>> -> memref<640x16xf32, #tpu.memory_space<hbm>>
      %dma_start3A_17 = arith.constant 0 : i32
      %dma_start3A_18 = tpu.memref_slice %arg10[%mul3A_10, %dma_start3A_17] : memref<10240x16xf32, #tpu.memory_space<vmem_shared>> -> memref<640x16xf32, #tpu.memory_space<vmem_shared>>
      tpu.enqueue_dma source(%dma_start3A_18 : memref<640x16xf32, #tpu.memory_space<vmem_shared>>) target(%dma_start3A_16 : memref<640x16xf32, #tpu.memory_space<hbm>>) target_semaphore(%run_scoped3A : memref<!tpu.dma_semaphore, #tpu.memory_space<semaphore_mem>>)
      %dma_wait3A = arith.constant 0 : i32
      %dma_wait3A_19 = tpu.memref_slice %arg6[%add3A_15, %dma_wait3A] : memref<20480x16xf32, #tpu.memory_space<hbm>> -> memref<640x16xf32, #tpu.memory_space<hbm>>
      %dma_wait3A_20 = arith.constant 0 : i32
      %dma_wait3A_21 = tpu.memref_slice %arg10[%mul3A_10, %dma_wait3A_20] : memref<10240x16xf32, #tpu.memory_space<vmem_shared>> -> memref<640x16xf32, #tpu.memory_space<vmem_shared>>
      tpu.wait_dma2 semaphore(%run_scoped3A : memref<!tpu.dma_semaphore, #tpu.memory_space<semaphore_mem>>) src(%dma_wait3A_21 : memref<640x16xf32, #tpu.memory_space<vmem_shared>>) dst(%dma_wait3A_19 : memref<640x16xf32, #tpu.memory_space<hbm>>)
      tpu.yield
    }) : () -> ()
    return
  }
}

#map = affine_map<(d0, d1) -> (0, 0)>
#map1 = affine_map<(d0, d1) -> (0, 0, 0)>
module attributes {stable_mosaic.version = 14 : i64} {
  func.func @_sc_scatter(%arg0: i32, %arg1: i32, %arg2: memref<10000x128xf32, #tpu.memory_space<hbm>>, %arg3: memref<32x125x80xi32, #tpu.memory_space<hbm>>, %arg4: memref<32x125x80xi32, #tpu.memory_space<hbm>>, %arg5: memref<640x128xf32, #tpu.memory_space<hbm>>, %arg6: memref<20480x128xf32, #tpu.memory_space<hbm>>, %arg7: memref<125x80xi32, #tpu.memory_space<vmem>>, %arg8: memref<125x80xi32, #tpu.memory_space<vmem>>, %arg9: memref<80x128xf32, #tpu.memory_space<vmem>>, %arg10: memref<10240x128xf32, #tpu.memory_space<vmem_shared>>, %arg11: memref<!tpu.dma_semaphore, #tpu.memory_space<semaphore_mem>>) attributes {dimension_semantics = [#tpu.dimension_semantics<core_parallel>, #tpu.dimension_semantics<subcore_parallel>], iteration_bounds = array<i64: 2, 16>, scalar_prefetch = 0 : i64, scratch_operands = 5 : i64, tpu.core_type = #tpu.core_type<sc_vector_subcore>, window_params = [{transform_indices = #map}, {transform_indices = #map1}, {transform_indices = #map1}, {transform_indices = #map}, {transform_indices = #map}]} {
    %mul3A = arith.constant 2 : i32
    %mul3A_0 = arith.muli %arg1, %mul3A : i32
    %add3A = arith.addi %mul3A_0, %arg0 : i32
    "tpu.region"() ({
      %run_scoped3A = tpu.sem_alloc : memref<!tpu.dma_semaphore, #tpu.memory_space<semaphore_mem>>
      %dma_start3A = arith.constant 0 : i32
      %dma_start3A_16 = arith.constant 0 : i32
      %dma_start3A_17 = tpu.memref_slice %arg3[%add3A, %dma_start3A, %dma_start3A_16] : memref<32x125x80xi32, #tpu.memory_space<hbm>> -> memref<1x125x80xi32, #tpu.memory_space<hbm>>
      %dma_start3A_18 = tpu.memref_squeeze %dma_start3A_17 : memref<1x125x80xi32, #tpu.memory_space<hbm>> -> memref<125x80xi32, #tpu.memory_space<hbm>>
      %dma_start3A_19 = arith.constant 0 : i32
      %dma_start3A_20 = arith.constant 0 : i32
      %dma_start3A_21 = tpu.memref_slice %arg3[%add3A, %dma_start3A_19, %dma_start3A_20] : memref<32x125x80xi32, #tpu.memory_space<hbm>> -> memref<1x125x80xi32, #tpu.memory_space<hbm>>
      %dma_start3A_22 = tpu.memref_squeeze %dma_start3A_21 : memref<1x125x80xi32, #tpu.memory_space<hbm>> -> memref<125x80xi32, #tpu.memory_space<hbm>>
      tpu.enqueue_dma source(%dma_start3A_22 : memref<125x80xi32, #tpu.memory_space<hbm>>) target(%arg7 : memref<125x80xi32, #tpu.memory_space<vmem>>) target_semaphore(%run_scoped3A : memref<!tpu.dma_semaphore, #tpu.memory_space<semaphore_mem>>)
      %dma_wait3A = arith.constant 0 : i32
      %dma_wait3A_23 = arith.constant 0 : i32
      %dma_wait3A_24 = tpu.memref_slice %arg3[%add3A, %dma_wait3A, %dma_wait3A_23] : memref<32x125x80xi32, #tpu.memory_space<hbm>> -> memref<1x125x80xi32, #tpu.memory_space<hbm>>
      %dma_wait3A_25 = tpu.memref_squeeze %dma_wait3A_24 : memref<1x125x80xi32, #tpu.memory_space<hbm>> -> memref<125x80xi32, #tpu.memory_space<hbm>>
      %dma_wait3A_26 = arith.constant 0 : i32
      %dma_wait3A_27 = arith.constant 0 : i32
      %dma_wait3A_28 = tpu.memref_slice %arg3[%add3A, %dma_wait3A_26, %dma_wait3A_27] : memref<32x125x80xi32, #tpu.memory_space<hbm>> -> memref<1x125x80xi32, #tpu.memory_space<hbm>>
      %dma_wait3A_29 = tpu.memref_squeeze %dma_wait3A_28 : memref<1x125x80xi32, #tpu.memory_space<hbm>> -> memref<125x80xi32, #tpu.memory_space<hbm>>
      tpu.wait_dma2 semaphore(%run_scoped3A : memref<!tpu.dma_semaphore, #tpu.memory_space<semaphore_mem>>) src(%dma_wait3A_29 : memref<125x80xi32, #tpu.memory_space<hbm>>) dst(%arg7 : memref<125x80xi32, #tpu.memory_space<vmem>>)
      tpu.yield
    }) : () -> ()
    "tpu.region"() ({
      %run_scoped3A = tpu.sem_alloc : memref<!tpu.dma_semaphore, #tpu.memory_space<semaphore_mem>>
      %dma_start3A = arith.constant 0 : i32
      %dma_start3A_16 = arith.constant 0 : i32
      %dma_start3A_17 = tpu.memref_slice %arg4[%add3A, %dma_start3A, %dma_start3A_16] : memref<32x125x80xi32, #tpu.memory_space<hbm>> -> memref<1x125x80xi32, #tpu.memory_space<hbm>>
      %dma_start3A_18 = tpu.memref_squeeze %dma_start3A_17 : memref<1x125x80xi32, #tpu.memory_space<hbm>> -> memref<125x80xi32, #tpu.memory_space<hbm>>
      %dma_start3A_19 = arith.constant 0 : i32
      %dma_start3A_20 = arith.constant 0 : i32
      %dma_start3A_21 = tpu.memref_slice %arg4[%add3A, %dma_start3A_19, %dma_start3A_20] : memref<32x125x80xi32, #tpu.memory_space<hbm>> -> memref<1x125x80xi32, #tpu.memory_space<hbm>>
      %dma_start3A_22 = tpu.memref_squeeze %dma_start3A_21 : memref<1x125x80xi32, #tpu.memory_space<hbm>> -> memref<125x80xi32, #tpu.memory_space<hbm>>
      tpu.enqueue_dma source(%dma_start3A_22 : memref<125x80xi32, #tpu.memory_space<hbm>>) target(%arg8 : memref<125x80xi32, #tpu.memory_space<vmem>>) target_semaphore(%run_scoped3A : memref<!tpu.dma_semaphore, #tpu.memory_space<semaphore_mem>>)
      %dma_wait3A = arith.constant 0 : i32
      %dma_wait3A_23 = arith.constant 0 : i32
      %dma_wait3A_24 = tpu.memref_slice %arg4[%add3A, %dma_wait3A, %dma_wait3A_23] : memref<32x125x80xi32, #tpu.memory_space<hbm>> -> memref<1x125x80xi32, #tpu.memory_space<hbm>>
      %dma_wait3A_25 = tpu.memref_squeeze %dma_wait3A_24 : memref<1x125x80xi32, #tpu.memory_space<hbm>> -> memref<125x80xi32, #tpu.memory_space<hbm>>
      %dma_wait3A_26 = arith.constant 0 : i32
      %dma_wait3A_27 = arith.constant 0 : i32
      %dma_wait3A_28 = tpu.memref_slice %arg4[%add3A, %dma_wait3A_26, %dma_wait3A_27] : memref<32x125x80xi32, #tpu.memory_space<hbm>> -> memref<1x125x80xi32, #tpu.memory_space<hbm>>
      %dma_wait3A_29 = tpu.memref_squeeze %dma_wait3A_28 : memref<1x125x80xi32, #tpu.memory_space<hbm>> -> memref<125x80xi32, #tpu.memory_space<hbm>>
      tpu.wait_dma2 semaphore(%run_scoped3A : memref<!tpu.dma_semaphore, #tpu.memory_space<semaphore_mem>>) src(%dma_wait3A_29 : memref<125x80xi32, #tpu.memory_space<hbm>>) dst(%arg8 : memref<125x80xi32, #tpu.memory_space<vmem>>)
      tpu.yield
    }) : () -> ()
    %mul3A_1 = arith.constant 640 : i32
    %mul3A_2 = arith.muli %arg1, %mul3A_1 : i32
    "tpu.region"() ({
      %run_scoped3A = tpu.sem_alloc : memref<!tpu.dma_semaphore, #tpu.memory_space<semaphore_mem>>
      %dma_start3A = arith.constant 0 : i32
      %dma_start3A_16 = tpu.memref_slice %arg10[%mul3A_2, %dma_start3A] : memref<10240x128xf32, #tpu.memory_space<vmem_shared>> -> memref<640x128xf32, #tpu.memory_space<vmem_shared>>
      tpu.enqueue_dma source(%arg5 : memref<640x128xf32, #tpu.memory_space<hbm>>) target(%dma_start3A_16 : memref<640x128xf32, #tpu.memory_space<vmem_shared>>) target_semaphore(%run_scoped3A : memref<!tpu.dma_semaphore, #tpu.memory_space<semaphore_mem>>)
      %dma_wait3A = arith.constant 0 : i32
      %dma_wait3A_17 = tpu.memref_slice %arg10[%mul3A_2, %dma_wait3A] : memref<10240x128xf32, #tpu.memory_space<vmem_shared>> -> memref<640x128xf32, #tpu.memory_space<vmem_shared>>
      tpu.wait_dma2 semaphore(%run_scoped3A : memref<!tpu.dma_semaphore, #tpu.memory_space<semaphore_mem>>) src(%arg5 : memref<640x128xf32, #tpu.memory_space<hbm>>) dst(%dma_wait3A_17 : memref<640x128xf32, #tpu.memory_space<vmem_shared>>)
      tpu.yield
    }) : () -> ()
    %barrier3A = arith.constant 0 : index
    tpu.barrier barrier_id(%barrier3A)
    %scan3A = arith.constant 0 : i32
    %scan3A_3 = arith.constant 0 : i32
    %scan3A_4 = arith.constant 125 : i32
    %scan3A_5 = arith.addi %scan3A_3, %scan3A_4 : i32
    %scan3A_6 = arith.constant 1 : i32
    scf.for %scan3A_16 = %scan3A_3 to %scan3A_5 step %scan3A_6  : i32 {
      %dma_start3A = arith.constant 0 : i32
      %dma_start3A_17 = tpu.memref_slice %arg7[%scan3A_16, %dma_start3A] : memref<125x80xi32, #tpu.memory_space<vmem>> -> memref<1x80xi32, #tpu.memory_space<vmem>>
      %dma_start3A_18 = tpu.memref_squeeze %dma_start3A_17 : memref<1x80xi32, #tpu.memory_space<vmem>> -> memref<80xi32, #tpu.memory_space<vmem>>
      %dma_start3A_19 = arith.constant 0 : i32
      %dma_start3A_20 = arith.constant 0 : i32
      %dma_start3A_21 = tpu.memref_slice %arg2[%dma_start3A_19, %dma_start3A_20] : memref<10000x128xf32, #tpu.memory_space<hbm>> -> memref<10000x128xf32, #tpu.memory_space<hbm>>
      tpu.enqueue_indirect_dma source(%dma_start3A_21 : memref<10000x128xf32, #tpu.memory_space<hbm>>) target(%arg9 : memref<80x128xf32, #tpu.memory_space<vmem>>) offsets(%dma_start3A_18 : memref<80xi32, #tpu.memory_space<vmem>>) semaphore(%arg11 : memref<!tpu.dma_semaphore, #tpu.memory_space<semaphore_mem>>)
      %dma_wait3A = arith.constant 0 : i32
      %dma_wait3A_22 = tpu.memref_slice %arg7[%scan3A_16, %dma_wait3A] : memref<125x80xi32, #tpu.memory_space<vmem>> -> memref<1x80xi32, #tpu.memory_space<vmem>>
      %dma_wait3A_23 = tpu.memref_squeeze %dma_wait3A_22 : memref<1x80xi32, #tpu.memory_space<vmem>> -> memref<80xi32, #tpu.memory_space<vmem>>
      %dma_wait3A_24 = arith.constant 0 : i32
      %dma_wait3A_25 = arith.constant 0 : i32
      %dma_wait3A_26 = tpu.memref_slice %arg2[%dma_wait3A_24, %dma_wait3A_25] : memref<10000x128xf32, #tpu.memory_space<hbm>> -> memref<10000x128xf32, #tpu.memory_space<hbm>>
      tpu.wait_indirect_dma semaphore(%arg11 : memref<!tpu.dma_semaphore, #tpu.memory_space<semaphore_mem>>) src(%dma_wait3A_26 : memref<10000x128xf32, #tpu.memory_space<hbm>>) dst(%arg9 : memref<80x128xf32, #tpu.memory_space<vmem>>)
      "tpu.region"() ({
        %run_scoped3A = tpu.sem_alloc : memref<!tpu.dma_semaphore, #tpu.memory_space<semaphore_mem>>
        %dma_start3A_27 = arith.constant 0 : i32
        %dma_start3A_28 = tpu.memref_slice %arg8[%scan3A_16, %dma_start3A_27] : memref<125x80xi32, #tpu.memory_space<vmem>> -> memref<1x80xi32, #tpu.memory_space<vmem>>
        %dma_start3A_29 = tpu.memref_squeeze %dma_start3A_28 : memref<1x80xi32, #tpu.memory_space<vmem>> -> memref<80xi32, #tpu.memory_space<vmem>>
        %dma_start3A_30 = arith.constant 0 : i32
        %dma_start3A_31 = arith.constant 0 : i32
        %dma_start3A_32 = tpu.memref_slice %arg10[%dma_start3A_30, %dma_start3A_31] : memref<10240x128xf32, #tpu.memory_space<vmem_shared>> -> memref<10240x128xf32, #tpu.memory_space<vmem_shared>>
        tpu.enqueue_indirect_dma source(%arg9 : memref<80x128xf32, #tpu.memory_space<vmem>>) target(%dma_start3A_32 : memref<10240x128xf32, #tpu.memory_space<vmem_shared>>) offsets(%dma_start3A_29 : memref<80xi32, #tpu.memory_space<vmem>>) semaphore(%run_scoped3A : memref<!tpu.dma_semaphore, #tpu.memory_space<semaphore_mem>>) {add = true}
        %dma_wait3A_33 = arith.constant 0 : i32
        %dma_wait3A_34 = tpu.memref_slice %arg8[%scan3A_16, %dma_wait3A_33] : memref<125x80xi32, #tpu.memory_space<vmem>> -> memref<1x80xi32, #tpu.memory_space<vmem>>
        %dma_wait3A_35 = tpu.memref_squeeze %dma_wait3A_34 : memref<1x80xi32, #tpu.memory_space<vmem>> -> memref<80xi32, #tpu.memory_space<vmem>>
        %dma_wait3A_36 = arith.constant 0 : i32
        %dma_wait3A_37 = arith.constant 0 : i32
        %dma_wait3A_38 = tpu.memref_slice %arg10[%dma_wait3A_36, %dma_wait3A_37] : memref<10240x128xf32, #tpu.memory_space<vmem_shared>> -> memref<10240x128xf32, #tpu.memory_space<vmem_shared>>
        tpu.wait_indirect_dma semaphore(%run_scoped3A : memref<!tpu.dma_semaphore, #tpu.memory_space<semaphore_mem>>) src(%arg9 : memref<80x128xf32, #tpu.memory_space<vmem>>) dst(%dma_wait3A_38 : memref<10240x128xf32, #tpu.memory_space<vmem_shared>>)
        tpu.yield
      }) : () -> ()
    }
    %scan3A_7 = arith.constant 125 : i32
    %barrier3A_8 = arith.constant 0 : index
    tpu.barrier barrier_id(%barrier3A_8)
    %mul3A_9 = arith.constant 640 : i32
    %mul3A_10 = arith.muli %arg1, %mul3A_9 : i32
    %mul3A_11 = arith.constant 10240 : i32
    %mul3A_12 = arith.muli %arg0, %mul3A_11 : i32
    %mul3A_13 = arith.constant 640 : i32
    %mul3A_14 = arith.muli %arg1, %mul3A_13 : i32
    %add3A_15 = arith.addi %mul3A_12, %mul3A_14 : i32
    "tpu.region"() ({
      %run_scoped3A = tpu.sem_alloc : memref<!tpu.dma_semaphore, #tpu.memory_space<semaphore_mem>>
      %dma_start3A = arith.constant 0 : i32
      %dma_start3A_16 = tpu.memref_slice %arg6[%add3A_15, %dma_start3A] : memref<20480x128xf32, #tpu.memory_space<hbm>> -> memref<640x128xf32, #tpu.memory_space<hbm>>
      %dma_start3A_17 = arith.constant 0 : i32
      %dma_start3A_18 = tpu.memref_slice %arg10[%mul3A_10, %dma_start3A_17] : memref<10240x128xf32, #tpu.memory_space<vmem_shared>> -> memref<640x128xf32, #tpu.memory_space<vmem_shared>>
      tpu.enqueue_dma source(%dma_start3A_18 : memref<640x128xf32, #tpu.memory_space<vmem_shared>>) target(%dma_start3A_16 : memref<640x128xf32, #tpu.memory_space<hbm>>) target_semaphore(%run_scoped3A : memref<!tpu.dma_semaphore, #tpu.memory_space<semaphore_mem>>)
      %dma_wait3A = arith.constant 0 : i32
      %dma_wait3A_19 = tpu.memref_slice %arg6[%add3A_15, %dma_wait3A] : memref<20480x128xf32, #tpu.memory_space<hbm>> -> memref<640x128xf32, #tpu.memory_space<hbm>>
      %dma_wait3A_20 = arith.constant 0 : i32
      %dma_wait3A_21 = tpu.memref_slice %arg10[%mul3A_10, %dma_wait3A_20] : memref<10240x128xf32, #tpu.memory_space<vmem_shared>> -> memref<640x128xf32, #tpu.memory_space<vmem_shared>>
      tpu.wait_dma2 semaphore(%run_scoped3A : memref<!tpu.dma_semaphore, #tpu.memory_space<semaphore_mem>>) src(%dma_wait3A_21 : memref<640x128xf32, #tpu.memory_space<vmem_shared>>) dst(%dma_wait3A_19 : memref<640x128xf32, #tpu.memory_space<hbm>>)
      tpu.yield
    }) : () -> ()
    return
  }
}

#map = affine_map<(d0, d1) -> (0, 0)>
#map1 = affine_map<(d0, d1) -> (0, 0, 0)>
module attributes {stable_mosaic.version = 14 : i64} {
  func.func @_sc_scatter(%arg0: i32, %arg1: i32, %arg2: memref<10000x128xf32, #tpu.memory_space<hbm>>, %arg3: memref<32x125x80xi32, #tpu.memory_space<hbm>>, %arg4: memref<32x125x80xi32, #tpu.memory_space<hbm>>, %arg5: memref<640x128xf32, #tpu.memory_space<hbm>>, %arg6: memref<20480x128xf32, #tpu.memory_space<hbm>>, %arg7: memref<125x80xi32, #tpu.memory_space<vmem>>, %arg8: memref<125x80xi32, #tpu.memory_space<vmem>>, %arg9: memref<80x128xf32, #tpu.memory_space<vmem>>, %arg10: memref<10240x128xf32, #tpu.memory_space<vmem_shared>>, %arg11: memref<!tpu.dma_semaphore, #tpu.memory_space<semaphore_mem>>) attributes {dimension_semantics = [#tpu.dimension_semantics<core_parallel>, #tpu.dimension_semantics<subcore_parallel>], iteration_bounds = array<i64: 2, 16>, scalar_prefetch = 0 : i64, scratch_operands = 5 : i64, tpu.core_type = #tpu.core_type<sc_vector_subcore>, window_params = [{transform_indices = #map}, {transform_indices = #map1}, {transform_indices = #map1}, {transform_indices = #map}, {transform_indices = #map}]} {
    %mul3A = arith.constant 2 : i32
    %mul3A_0 = arith.muli %arg1, %mul3A : i32
    %add3A = arith.addi %mul3A_0, %arg0 : i32
    "tpu.region"() ({
      %run_scoped3A = tpu.sem_alloc : memref<!tpu.dma_semaphore, #tpu.memory_space<semaphore_mem>>
      %dma_start3A = arith.constant 0 : i32
      %dma_start3A_16 = arith.constant 0 : i32
      %dma_start3A_17 = tpu.memref_slice %arg3[%add3A, %dma_start3A, %dma_start3A_16] : memref<32x125x80xi32, #tpu.memory_space<hbm>> -> memref<1x125x80xi32, #tpu.memory_space<hbm>>
      %dma_start3A_18 = tpu.memref_squeeze %dma_start3A_17 : memref<1x125x80xi32, #tpu.memory_space<hbm>> -> memref<125x80xi32, #tpu.memory_space<hbm>>
      %dma_start3A_19 = arith.constant 0 : i32
      %dma_start3A_20 = arith.constant 0 : i32
      %dma_start3A_21 = tpu.memref_slice %arg3[%add3A, %dma_start3A_19, %dma_start3A_20] : memref<32x125x80xi32, #tpu.memory_space<hbm>> -> memref<1x125x80xi32, #tpu.memory_space<hbm>>
      %dma_start3A_22 = tpu.memref_squeeze %dma_start3A_21 : memref<1x125x80xi32, #tpu.memory_space<hbm>> -> memref<125x80xi32, #tpu.memory_space<hbm>>
      tpu.enqueue_dma source(%dma_start3A_22 : memref<125x80xi32, #tpu.memory_space<hbm>>) target(%arg7 : memref<125x80xi32, #tpu.memory_space<vmem>>) target_semaphore(%run_scoped3A : memref<!tpu.dma_semaphore, #tpu.memory_space<semaphore_mem>>)
      %dma_wait3A = arith.constant 0 : i32
      %dma_wait3A_23 = arith.constant 0 : i32
      %dma_wait3A_24 = tpu.memref_slice %arg3[%add3A, %dma_wait3A, %dma_wait3A_23] : memref<32x125x80xi32, #tpu.memory_space<hbm>> -> memref<1x125x80xi32, #tpu.memory_space<hbm>>
      %dma_wait3A_25 = tpu.memref_squeeze %dma_wait3A_24 : memref<1x125x80xi32, #tpu.memory_space<hbm>> -> memref<125x80xi32, #tpu.memory_space<hbm>>
      %dma_wait3A_26 = arith.constant 0 : i32
      %dma_wait3A_27 = arith.constant 0 : i32
      %dma_wait3A_28 = tpu.memref_slice %arg3[%add3A, %dma_wait3A_26, %dma_wait3A_27] : memref<32x125x80xi32, #tpu.memory_space<hbm>> -> memref<1x125x80xi32, #tpu.memory_space<hbm>>
      %dma_wait3A_29 = tpu.memref_squeeze %dma_wait3A_28 : memref<1x125x80xi32, #tpu.memory_space<hbm>> -> memref<125x80xi32, #tpu.memory_space<hbm>>
      tpu.wait_dma2 semaphore(%run_scoped3A : memref<!tpu.dma_semaphore, #tpu.memory_space<semaphore_mem>>) src(%dma_wait3A_29 : memref<125x80xi32, #tpu.memory_space<hbm>>) dst(%arg7 : memref<125x80xi32, #tpu.memory_space<vmem>>)
      tpu.yield
    }) : () -> ()
    "tpu.region"() ({
      %run_scoped3A = tpu.sem_alloc : memref<!tpu.dma_semaphore, #tpu.memory_space<semaphore_mem>>
      %dma_start3A = arith.constant 0 : i32
      %dma_start3A_16 = arith.constant 0 : i32
      %dma_start3A_17 = tpu.memref_slice %arg4[%add3A, %dma_start3A, %dma_start3A_16] : memref<32x125x80xi32, #tpu.memory_space<hbm>> -> memref<1x125x80xi32, #tpu.memory_space<hbm>>
      %dma_start3A_18 = tpu.memref_squeeze %dma_start3A_17 : memref<1x125x80xi32, #tpu.memory_space<hbm>> -> memref<125x80xi32, #tpu.memory_space<hbm>>
      %dma_start3A_19 = arith.constant 0 : i32
      %dma_start3A_20 = arith.constant 0 : i32
      %dma_start3A_21 = tpu.memref_slice %arg4[%add3A, %dma_start3A_19, %dma_start3A_20] : memref<32x125x80xi32, #tpu.memory_space<hbm>> -> memref<1x125x80xi32, #tpu.memory_space<hbm>>
      %dma_start3A_22 = tpu.memref_squeeze %dma_start3A_21 : memref<1x125x80xi32, #tpu.memory_space<hbm>> -> memref<125x80xi32, #tpu.memory_space<hbm>>
      tpu.enqueue_dma source(%dma_start3A_22 : memref<125x80xi32, #tpu.memory_space<hbm>>) target(%arg8 : memref<125x80xi32, #tpu.memory_space<vmem>>) target_semaphore(%run_scoped3A : memref<!tpu.dma_semaphore, #tpu.memory_space<semaphore_mem>>)
      %dma_wait3A = arith.constant 0 : i32
      %dma_wait3A_23 = arith.constant 0 : i32
      %dma_wait3A_24 = tpu.memref_slice %arg4[%add3A, %dma_wait3A, %dma_wait3A_23] : memref<32x125x80xi32, #tpu.memory_space<hbm>> -> memref<1x125x80xi32, #tpu.memory_space<hbm>>
      %dma_wait3A_25 = tpu.memref_squeeze %dma_wait3A_24 : memref<1x125x80xi32, #tpu.memory_space<hbm>> -> memref<125x80xi32, #tpu.memory_space<hbm>>
      %dma_wait3A_26 = arith.constant 0 : i32
      %dma_wait3A_27 = arith.constant 0 : i32
      %dma_wait3A_28 = tpu.memref_slice %arg4[%add3A, %dma_wait3A_26, %dma_wait3A_27] : memref<32x125x80xi32, #tpu.memory_space<hbm>> -> memref<1x125x80xi32, #tpu.memory_space<hbm>>
      %dma_wait3A_29 = tpu.memref_squeeze %dma_wait3A_28 : memref<1x125x80xi32, #tpu.memory_space<hbm>> -> memref<125x80xi32, #tpu.memory_space<hbm>>
      tpu.wait_dma2 semaphore(%run_scoped3A : memref<!tpu.dma_semaphore, #tpu.memory_space<semaphore_mem>>) src(%dma_wait3A_29 : memref<125x80xi32, #tpu.memory_space<hbm>>) dst(%arg8 : memref<125x80xi32, #tpu.memory_space<vmem>>)
      tpu.yield
    }) : () -> ()
    %mul3A_1 = arith.constant 640 : i32
    %mul3A_2 = arith.muli %arg1, %mul3A_1 : i32
    "tpu.region"() ({
      %run_scoped3A = tpu.sem_alloc : memref<!tpu.dma_semaphore, #tpu.memory_space<semaphore_mem>>
      %dma_start3A = arith.constant 0 : i32
      %dma_start3A_16 = tpu.memref_slice %arg10[%mul3A_2, %dma_start3A] : memref<10240x128xf32, #tpu.memory_space<vmem_shared>> -> memref<640x128xf32, #tpu.memory_space<vmem_shared>>
      tpu.enqueue_dma source(%arg5 : memref<640x128xf32, #tpu.memory_space<hbm>>) target(%dma_start3A_16 : memref<640x128xf32, #tpu.memory_space<vmem_shared>>) target_semaphore(%run_scoped3A : memref<!tpu.dma_semaphore, #tpu.memory_space<semaphore_mem>>)
      %dma_wait3A = arith.constant 0 : i32
      %dma_wait3A_17 = tpu.memref_slice %arg10[%mul3A_2, %dma_wait3A] : memref<10240x128xf32, #tpu.memory_space<vmem_shared>> -> memref<640x128xf32, #tpu.memory_space<vmem_shared>>
      tpu.wait_dma2 semaphore(%run_scoped3A : memref<!tpu.dma_semaphore, #tpu.memory_space<semaphore_mem>>) src(%arg5 : memref<640x128xf32, #tpu.memory_space<hbm>>) dst(%dma_wait3A_17 : memref<640x128xf32, #tpu.memory_space<vmem_shared>>)
      tpu.yield
    }) : () -> ()
    %barrier3A = arith.constant 0 : index
    tpu.barrier barrier_id(%barrier3A)
    %scan3A = arith.constant 0 : i32
    %scan3A_3 = arith.constant 0 : i32
    %scan3A_4 = arith.constant 125 : i32
    %scan3A_5 = arith.addi %scan3A_3, %scan3A_4 : i32
    %scan3A_6 = arith.constant 1 : i32
    scf.for %scan3A_16 = %scan3A_3 to %scan3A_5 step %scan3A_6  : i32 {
      %dma_start3A = arith.constant 0 : i32
      %dma_start3A_17 = tpu.memref_slice %arg7[%scan3A_16, %dma_start3A] : memref<125x80xi32, #tpu.memory_space<vmem>> -> memref<1x80xi32, #tpu.memory_space<vmem>>
      %dma_start3A_18 = tpu.memref_squeeze %dma_start3A_17 : memref<1x80xi32, #tpu.memory_space<vmem>> -> memref<80xi32, #tpu.memory_space<vmem>>
      %dma_start3A_19 = arith.constant 0 : i32
      %dma_start3A_20 = arith.constant 0 : i32
      %dma_start3A_21 = tpu.memref_slice %arg2[%dma_start3A_19, %dma_start3A_20] : memref<10000x128xf32, #tpu.memory_space<hbm>> -> memref<10000x128xf32, #tpu.memory_space<hbm>>
      tpu.enqueue_indirect_dma source(%dma_start3A_21 : memref<10000x128xf32, #tpu.memory_space<hbm>>) target(%arg9 : memref<80x128xf32, #tpu.memory_space<vmem>>) offsets(%dma_start3A_18 : memref<80xi32, #tpu.memory_space<vmem>>) semaphore(%arg11 : memref<!tpu.dma_semaphore, #tpu.memory_space<semaphore_mem>>)
      %dma_wait3A = arith.constant 0 : i32
      %dma_wait3A_22 = tpu.memref_slice %arg7[%scan3A_16, %dma_wait3A] : memref<125x80xi32, #tpu.memory_space<vmem>> -> memref<1x80xi32, #tpu.memory_space<vmem>>
      %dma_wait3A_23 = tpu.memref_squeeze %dma_wait3A_22 : memref<1x80xi32, #tpu.memory_space<vmem>> -> memref<80xi32, #tpu.memory_space<vmem>>
      %dma_wait3A_24 = arith.constant 0 : i32
      %dma_wait3A_25 = arith.constant 0 : i32
      %dma_wait3A_26 = tpu.memref_slice %arg2[%dma_wait3A_24, %dma_wait3A_25] : memref<10000x128xf32, #tpu.memory_space<hbm>> -> memref<10000x128xf32, #tpu.memory_space<hbm>>
      tpu.wait_indirect_dma semaphore(%arg11 : memref<!tpu.dma_semaphore, #tpu.memory_space<semaphore_mem>>) src(%dma_wait3A_26 : memref<10000x128xf32, #tpu.memory_space<hbm>>) dst(%arg9 : memref<80x128xf32, #tpu.memory_space<vmem>>)
      "tpu.region"() ({
        %run_scoped3A = tpu.sem_alloc : memref<!tpu.dma_semaphore, #tpu.memory_space<semaphore_mem>>
        %dma_start3A_27 = arith.constant 0 : i32
        %dma_start3A_28 = tpu.memref_slice %arg8[%scan3A_16, %dma_start3A_27] : memref<125x80xi32, #tpu.memory_space<vmem>> -> memref<1x80xi32, #tpu.memory_space<vmem>>
        %dma_start3A_29 = tpu.memref_squeeze %dma_start3A_28 : memref<1x80xi32, #tpu.memory_space<vmem>> -> memref<80xi32, #tpu.memory_space<vmem>>
        %dma_start3A_30 = arith.constant 0 : i32
        %dma_start3A_31 = arith.constant 0 : i32
        %dma_start3A_32 = tpu.memref_slice %arg10[%dma_start3A_30, %dma_start3A_31] : memref<10240x128xf32, #tpu.memory_space<vmem_shared>> -> memref<10240x128xf32, #tpu.memory_space<vmem_shared>>
        tpu.enqueue_indirect_dma source(%arg9 : memref<80x128xf32, #tpu.memory_space<vmem>>) target(%dma_start3A_32 : memref<10240x128xf32, #tpu.memory_space<vmem_shared>>) offsets(%dma_start3A_29 : memref<80xi32, #tpu.memory_space<vmem>>) semaphore(%run_scoped3A : memref<!tpu.dma_semaphore, #tpu.memory_space<semaphore_mem>>) {add = true}
        %dma_wait3A_33 = arith.constant 0 : i32
        %dma_wait3A_34 = tpu.memref_slice %arg8[%scan3A_16, %dma_wait3A_33] : memref<125x80xi32, #tpu.memory_space<vmem>> -> memref<1x80xi32, #tpu.memory_space<vmem>>
        %dma_wait3A_35 = tpu.memref_squeeze %dma_wait3A_34 : memref<1x80xi32, #tpu.memory_space<vmem>> -> memref<80xi32, #tpu.memory_space<vmem>>
        %dma_wait3A_36 = arith.constant 0 : i32
        %dma_wait3A_37 = arith.constant 0 : i32
        %dma_wait3A_38 = tpu.memref_slice %arg10[%dma_wait3A_36, %dma_wait3A_37] : memref<10240x128xf32, #tpu.memory_space<vmem_shared>> -> memref<10240x128xf32, #tpu.memory_space<vmem_shared>>
        tpu.wait_indirect_dma semaphore(%run_scoped3A : memref<!tpu.dma_semaphore, #tpu.memory_space<semaphore_mem>>) src(%arg9 : memref<80x128xf32, #tpu.memory_space<vmem>>) dst(%dma_wait3A_38 : memref<10240x128xf32, #tpu.memory_space<vmem_shared>>)
        tpu.yield
      }) : () -> ()
    }
    %scan3A_7 = arith.constant 125 : i32
    %barrier3A_8 = arith.constant 0 : index
    tpu.barrier barrier_id(%barrier3A_8)
    %mul3A_9 = arith.constant 640 : i32
    %mul3A_10 = arith.muli %arg1, %mul3A_9 : i32
    %mul3A_11 = arith.constant 10240 : i32
    %mul3A_12 = arith.muli %arg0, %mul3A_11 : i32
    %mul3A_13 = arith.constant 640 : i32
    %mul3A_14 = arith.muli %arg1, %mul3A_13 : i32
    %add3A_15 = arith.addi %mul3A_12, %mul3A_14 : i32
    "tpu.region"() ({
      %run_scoped3A = tpu.sem_alloc : memref<!tpu.dma_semaphore, #tpu.memory_space<semaphore_mem>>
      %dma_start3A = arith.constant 0 : i32
      %dma_start3A_16 = tpu.memref_slice %arg6[%add3A_15, %dma_start3A] : memref<20480x128xf32, #tpu.memory_space<hbm>> -> memref<640x128xf32, #tpu.memory_space<hbm>>
      %dma_start3A_17 = arith.constant 0 : i32
      %dma_start3A_18 = tpu.memref_slice %arg10[%mul3A_10, %dma_start3A_17] : memref<10240x128xf32, #tpu.memory_space<vmem_shared>> -> memref<640x128xf32, #tpu.memory_space<vmem_shared>>
      tpu.enqueue_dma source(%dma_start3A_18 : memref<640x128xf32, #tpu.memory_space<vmem_shared>>) target(%dma_start3A_16 : memref<640x128xf32, #tpu.memory_space<hbm>>) target_semaphore(%run_scoped3A : memref<!tpu.dma_semaphore, #tpu.memory_space<semaphore_mem>>)
      %dma_wait3A = arith.constant 0 : i32
      %dma_wait3A_19 = tpu.memref_slice %arg6[%add3A_15, %dma_wait3A] : memref<20480x128xf32, #tpu.memory_space<hbm>> -> memref<640x128xf32, #tpu.memory_space<hbm>>
      %dma_wait3A_20 = arith.constant 0 : i32
      %dma_wait3A_21 = tpu.memref_slice %arg10[%mul3A_10, %dma_wait3A_20] : memref<10240x128xf32, #tpu.memory_space<vmem_shared>> -> memref<640x128xf32, #tpu.memory_space<vmem_shared>>
      tpu.wait_dma2 semaphore(%run_scoped3A : memref<!tpu.dma_semaphore, #tpu.memory_space<semaphore_mem>>) src(%dma_wait3A_21 : memref<640x128xf32, #tpu.memory_space<vmem_shared>>) dst(%dma_wait3A_19 : memref<640x128xf32, #tpu.memory_space<hbm>>)
      tpu.yield
    }) : () -> ()
    return
  }
}

#map = affine_map<(d0, d1) -> (0, 0)>
#map1 = affine_map<(d0, d1) -> (0, 0, 0)>
module attributes {stable_mosaic.version = 14 : i64} {
  func.func @_sc_scatter(%arg0: i32, %arg1: i32, %arg2: memref<10000x128xf32, #tpu.memory_space<hbm>>, %arg3: memref<32x125x80xi32, #tpu.memory_space<hbm>>, %arg4: memref<32x125x80xi32, #tpu.memory_space<hbm>>, %arg5: memref<640x128xf32, #tpu.memory_space<hbm>>, %arg6: memref<20480x128xf32, #tpu.memory_space<hbm>>, %arg7: memref<125x80xi32, #tpu.memory_space<vmem>>, %arg8: memref<125x80xi32, #tpu.memory_space<vmem>>, %arg9: memref<80x128xf32, #tpu.memory_space<vmem>>, %arg10: memref<10240x128xf32, #tpu.memory_space<vmem_shared>>, %arg11: memref<!tpu.dma_semaphore, #tpu.memory_space<semaphore_mem>>) attributes {dimension_semantics = [#tpu.dimension_semantics<core_parallel>, #tpu.dimension_semantics<subcore_parallel>], iteration_bounds = array<i64: 2, 16>, scalar_prefetch = 0 : i64, scratch_operands = 5 : i64, tpu.core_type = #tpu.core_type<sc_vector_subcore>, window_params = [{transform_indices = #map}, {transform_indices = #map1}, {transform_indices = #map1}, {transform_indices = #map}, {transform_indices = #map}]} {
    %mul3A = arith.constant 2 : i32
    %mul3A_0 = arith.muli %arg1, %mul3A : i32
    %add3A = arith.addi %mul3A_0, %arg0 : i32
    "tpu.region"() ({
      %run_scoped3A = tpu.sem_alloc : memref<!tpu.dma_semaphore, #tpu.memory_space<semaphore_mem>>
      %dma_start3A = arith.constant 0 : i32
      %dma_start3A_16 = arith.constant 0 : i32
      %dma_start3A_17 = tpu.memref_slice %arg3[%add3A, %dma_start3A, %dma_start3A_16] : memref<32x125x80xi32, #tpu.memory_space<hbm>> -> memref<1x125x80xi32, #tpu.memory_space<hbm>>
      %dma_start3A_18 = tpu.memref_squeeze %dma_start3A_17 : memref<1x125x80xi32, #tpu.memory_space<hbm>> -> memref<125x80xi32, #tpu.memory_space<hbm>>
      %dma_start3A_19 = arith.constant 0 : i32
      %dma_start3A_20 = arith.constant 0 : i32
      %dma_start3A_21 = tpu.memref_slice %arg3[%add3A, %dma_start3A_19, %dma_start3A_20] : memref<32x125x80xi32, #tpu.memory_space<hbm>> -> memref<1x125x80xi32, #tpu.memory_space<hbm>>
      %dma_start3A_22 = tpu.memref_squeeze %dma_start3A_21 : memref<1x125x80xi32, #tpu.memory_space<hbm>> -> memref<125x80xi32, #tpu.memory_space<hbm>>
      tpu.enqueue_dma source(%dma_start3A_22 : memref<125x80xi32, #tpu.memory_space<hbm>>) target(%arg7 : memref<125x80xi32, #tpu.memory_space<vmem>>) target_semaphore(%run_scoped3A : memref<!tpu.dma_semaphore, #tpu.memory_space<semaphore_mem>>)
      %dma_wait3A = arith.constant 0 : i32
      %dma_wait3A_23 = arith.constant 0 : i32
      %dma_wait3A_24 = tpu.memref_slice %arg3[%add3A, %dma_wait3A, %dma_wait3A_23] : memref<32x125x80xi32, #tpu.memory_space<hbm>> -> memref<1x125x80xi32, #tpu.memory_space<hbm>>
      %dma_wait3A_25 = tpu.memref_squeeze %dma_wait3A_24 : memref<1x125x80xi32, #tpu.memory_space<hbm>> -> memref<125x80xi32, #tpu.memory_space<hbm>>
      %dma_wait3A_26 = arith.constant 0 : i32
      %dma_wait3A_27 = arith.constant 0 : i32
      %dma_wait3A_28 = tpu.memref_slice %arg3[%add3A, %dma_wait3A_26, %dma_wait3A_27] : memref<32x125x80xi32, #tpu.memory_space<hbm>> -> memref<1x125x80xi32, #tpu.memory_space<hbm>>
      %dma_wait3A_29 = tpu.memref_squeeze %dma_wait3A_28 : memref<1x125x80xi32, #tpu.memory_space<hbm>> -> memref<125x80xi32, #tpu.memory_space<hbm>>
      tpu.wait_dma2 semaphore(%run_scoped3A : memref<!tpu.dma_semaphore, #tpu.memory_space<semaphore_mem>>) src(%dma_wait3A_29 : memref<125x80xi32, #tpu.memory_space<hbm>>) dst(%arg7 : memref<125x80xi32, #tpu.memory_space<vmem>>)
      tpu.yield
    }) : () -> ()
    "tpu.region"() ({
      %run_scoped3A = tpu.sem_alloc : memref<!tpu.dma_semaphore, #tpu.memory_space<semaphore_mem>>
      %dma_start3A = arith.constant 0 : i32
      %dma_start3A_16 = arith.constant 0 : i32
      %dma_start3A_17 = tpu.memref_slice %arg4[%add3A, %dma_start3A, %dma_start3A_16] : memref<32x125x80xi32, #tpu.memory_space<hbm>> -> memref<1x125x80xi32, #tpu.memory_space<hbm>>
      %dma_start3A_18 = tpu.memref_squeeze %dma_start3A_17 : memref<1x125x80xi32, #tpu.memory_space<hbm>> -> memref<125x80xi32, #tpu.memory_space<hbm>>
      %dma_start3A_19 = arith.constant 0 : i32
      %dma_start3A_20 = arith.constant 0 : i32
      %dma_start3A_21 = tpu.memref_slice %arg4[%add3A, %dma_start3A_19, %dma_start3A_20] : memref<32x125x80xi32, #tpu.memory_space<hbm>> -> memref<1x125x80xi32, #tpu.memory_space<hbm>>
      %dma_start3A_22 = tpu.memref_squeeze %dma_start3A_21 : memref<1x125x80xi32, #tpu.memory_space<hbm>> -> memref<125x80xi32, #tpu.memory_space<hbm>>
      tpu.enqueue_dma source(%dma_start3A_22 : memref<125x80xi32, #tpu.memory_space<hbm>>) target(%arg8 : memref<125x80xi32, #tpu.memory_space<vmem>>) target_semaphore(%run_scoped3A : memref<!tpu.dma_semaphore, #tpu.memory_space<semaphore_mem>>)
      %dma_wait3A = arith.constant 0 : i32
      %dma_wait3A_23 = arith.constant 0 : i32
      %dma_wait3A_24 = tpu.memref_slice %arg4[%add3A, %dma_wait3A, %dma_wait3A_23] : memref<32x125x80xi32, #tpu.memory_space<hbm>> -> memref<1x125x80xi32, #tpu.memory_space<hbm>>
      %dma_wait3A_25 = tpu.memref_squeeze %dma_wait3A_24 : memref<1x125x80xi32, #tpu.memory_space<hbm>> -> memref<125x80xi32, #tpu.memory_space<hbm>>
      %dma_wait3A_26 = arith.constant 0 : i32
      %dma_wait3A_27 = arith.constant 0 : i32
      %dma_wait3A_28 = tpu.memref_slice %arg4[%add3A, %dma_wait3A_26, %dma_wait3A_27] : memref<32x125x80xi32, #tpu.memory_space<hbm>> -> memref<1x125x80xi32, #tpu.memory_space<hbm>>
      %dma_wait3A_29 = tpu.memref_squeeze %dma_wait3A_28 : memref<1x125x80xi32, #tpu.memory_space<hbm>> -> memref<125x80xi32, #tpu.memory_space<hbm>>
      tpu.wait_dma2 semaphore(%run_scoped3A : memref<!tpu.dma_semaphore, #tpu.memory_space<semaphore_mem>>) src(%dma_wait3A_29 : memref<125x80xi32, #tpu.memory_space<hbm>>) dst(%arg8 : memref<125x80xi32, #tpu.memory_space<vmem>>)
      tpu.yield
    }) : () -> ()
    %mul3A_1 = arith.constant 640 : i32
    %mul3A_2 = arith.muli %arg1, %mul3A_1 : i32
    "tpu.region"() ({
      %run_scoped3A = tpu.sem_alloc : memref<!tpu.dma_semaphore, #tpu.memory_space<semaphore_mem>>
      %dma_start3A = arith.constant 0 : i32
      %dma_start3A_16 = tpu.memref_slice %arg10[%mul3A_2, %dma_start3A] : memref<10240x128xf32, #tpu.memory_space<vmem_shared>> -> memref<640x128xf32, #tpu.memory_space<vmem_shared>>
      tpu.enqueue_dma source(%arg5 : memref<640x128xf32, #tpu.memory_space<hbm>>) target(%dma_start3A_16 : memref<640x128xf32, #tpu.memory_space<vmem_shared>>) target_semaphore(%run_scoped3A : memref<!tpu.dma_semaphore, #tpu.memory_space<semaphore_mem>>)
      %dma_wait3A = arith.constant 0 : i32
      %dma_wait3A_17 = tpu.memref_slice %arg10[%mul3A_2, %dma_wait3A] : memref<10240x128xf32, #tpu.memory_space<vmem_shared>> -> memref<640x128xf32, #tpu.memory_space<vmem_shared>>
      tpu.wait_dma2 semaphore(%run_scoped3A : memref<!tpu.dma_semaphore, #tpu.memory_space<semaphore_mem>>) src(%arg5 : memref<640x128xf32, #tpu.memory_space<hbm>>) dst(%dma_wait3A_17 : memref<640x128xf32, #tpu.memory_space<vmem_shared>>)
      tpu.yield
    }) : () -> ()
    %barrier3A = arith.constant 0 : index
    tpu.barrier barrier_id(%barrier3A)
    %scan3A = arith.constant 0 : i32
    %scan3A_3 = arith.constant 0 : i32
    %scan3A_4 = arith.constant 125 : i32
    %scan3A_5 = arith.addi %scan3A_3, %scan3A_4 : i32
    %scan3A_6 = arith.constant 1 : i32
    scf.for %scan3A_16 = %scan3A_3 to %scan3A_5 step %scan3A_6  : i32 {
      %dma_start3A = arith.constant 0 : i32
      %dma_start3A_17 = tpu.memref_slice %arg7[%scan3A_16, %dma_start3A] : memref<125x80xi32, #tpu.memory_space<vmem>> -> memref<1x80xi32, #tpu.memory_space<vmem>>
      %dma_start3A_18 = tpu.memref_squeeze %dma_start3A_17 : memref<1x80xi32, #tpu.memory_space<vmem>> -> memref<80xi32, #tpu.memory_space<vmem>>
      %dma_start3A_19 = arith.constant 0 : i32
      %dma_start3A_20 = arith.constant 0 : i32
      %dma_start3A_21 = tpu.memref_slice %arg2[%dma_start3A_19, %dma_start3A_20] : memref<10000x128xf32, #tpu.memory_space<hbm>> -> memref<10000x128xf32, #tpu.memory_space<hbm>>
      tpu.enqueue_indirect_dma source(%dma_start3A_21 : memref<10000x128xf32, #tpu.memory_space<hbm>>) target(%arg9 : memref<80x128xf32, #tpu.memory_space<vmem>>) offsets(%dma_start3A_18 : memref<80xi32, #tpu.memory_space<vmem>>) semaphore(%arg11 : memref<!tpu.dma_semaphore, #tpu.memory_space<semaphore_mem>>)
      %dma_wait3A = arith.constant 0 : i32
      %dma_wait3A_22 = tpu.memref_slice %arg7[%scan3A_16, %dma_wait3A] : memref<125x80xi32, #tpu.memory_space<vmem>> -> memref<1x80xi32, #tpu.memory_space<vmem>>
      %dma_wait3A_23 = tpu.memref_squeeze %dma_wait3A_22 : memref<1x80xi32, #tpu.memory_space<vmem>> -> memref<80xi32, #tpu.memory_space<vmem>>
      %dma_wait3A_24 = arith.constant 0 : i32
      %dma_wait3A_25 = arith.constant 0 : i32
      %dma_wait3A_26 = tpu.memref_slice %arg2[%dma_wait3A_24, %dma_wait3A_25] : memref<10000x128xf32, #tpu.memory_space<hbm>> -> memref<10000x128xf32, #tpu.memory_space<hbm>>
      tpu.wait_indirect_dma semaphore(%arg11 : memref<!tpu.dma_semaphore, #tpu.memory_space<semaphore_mem>>) src(%dma_wait3A_26 : memref<10000x128xf32, #tpu.memory_space<hbm>>) dst(%arg9 : memref<80x128xf32, #tpu.memory_space<vmem>>)
      "tpu.region"() ({
        %run_scoped3A = tpu.sem_alloc : memref<!tpu.dma_semaphore, #tpu.memory_space<semaphore_mem>>
        %dma_start3A_27 = arith.constant 0 : i32
        %dma_start3A_28 = tpu.memref_slice %arg8[%scan3A_16, %dma_start3A_27] : memref<125x80xi32, #tpu.memory_space<vmem>> -> memref<1x80xi32, #tpu.memory_space<vmem>>
        %dma_start3A_29 = tpu.memref_squeeze %dma_start3A_28 : memref<1x80xi32, #tpu.memory_space<vmem>> -> memref<80xi32, #tpu.memory_space<vmem>>
        %dma_start3A_30 = arith.constant 0 : i32
        %dma_start3A_31 = arith.constant 0 : i32
        %dma_start3A_32 = tpu.memref_slice %arg10[%dma_start3A_30, %dma_start3A_31] : memref<10240x128xf32, #tpu.memory_space<vmem_shared>> -> memref<10240x128xf32, #tpu.memory_space<vmem_shared>>
        tpu.enqueue_indirect_dma source(%arg9 : memref<80x128xf32, #tpu.memory_space<vmem>>) target(%dma_start3A_32 : memref<10240x128xf32, #tpu.memory_space<vmem_shared>>) offsets(%dma_start3A_29 : memref<80xi32, #tpu.memory_space<vmem>>) semaphore(%run_scoped3A : memref<!tpu.dma_semaphore, #tpu.memory_space<semaphore_mem>>) {add = true}
        %dma_wait3A_33 = arith.constant 0 : i32
        %dma_wait3A_34 = tpu.memref_slice %arg8[%scan3A_16, %dma_wait3A_33] : memref<125x80xi32, #tpu.memory_space<vmem>> -> memref<1x80xi32, #tpu.memory_space<vmem>>
        %dma_wait3A_35 = tpu.memref_squeeze %dma_wait3A_34 : memref<1x80xi32, #tpu.memory_space<vmem>> -> memref<80xi32, #tpu.memory_space<vmem>>
        %dma_wait3A_36 = arith.constant 0 : i32
        %dma_wait3A_37 = arith.constant 0 : i32
        %dma_wait3A_38 = tpu.memref_slice %arg10[%dma_wait3A_36, %dma_wait3A_37] : memref<10240x128xf32, #tpu.memory_space<vmem_shared>> -> memref<10240x128xf32, #tpu.memory_space<vmem_shared>>
        tpu.wait_indirect_dma semaphore(%run_scoped3A : memref<!tpu.dma_semaphore, #tpu.memory_space<semaphore_mem>>) src(%arg9 : memref<80x128xf32, #tpu.memory_space<vmem>>) dst(%dma_wait3A_38 : memref<10240x128xf32, #tpu.memory_space<vmem_shared>>)
        tpu.yield
      }) : () -> ()
    }
    %scan3A_7 = arith.constant 125 : i32
    %barrier3A_8 = arith.constant 0 : index
    tpu.barrier barrier_id(%barrier3A_8)
    %mul3A_9 = arith.constant 640 : i32
    %mul3A_10 = arith.muli %arg1, %mul3A_9 : i32
    %mul3A_11 = arith.constant 10240 : i32
    %mul3A_12 = arith.muli %arg0, %mul3A_11 : i32
    %mul3A_13 = arith.constant 640 : i32
    %mul3A_14 = arith.muli %arg1, %mul3A_13 : i32
    %add3A_15 = arith.addi %mul3A_12, %mul3A_14 : i32
    "tpu.region"() ({
      %run_scoped3A = tpu.sem_alloc : memref<!tpu.dma_semaphore, #tpu.memory_space<semaphore_mem>>
      %dma_start3A = arith.constant 0 : i32
      %dma_start3A_16 = tpu.memref_slice %arg6[%add3A_15, %dma_start3A] : memref<20480x128xf32, #tpu.memory_space<hbm>> -> memref<640x128xf32, #tpu.memory_space<hbm>>
      %dma_start3A_17 = arith.constant 0 : i32
      %dma_start3A_18 = tpu.memref_slice %arg10[%mul3A_10, %dma_start3A_17] : memref<10240x128xf32, #tpu.memory_space<vmem_shared>> -> memref<640x128xf32, #tpu.memory_space<vmem_shared>>
      tpu.enqueue_dma source(%dma_start3A_18 : memref<640x128xf32, #tpu.memory_space<vmem_shared>>) target(%dma_start3A_16 : memref<640x128xf32, #tpu.memory_space<hbm>>) target_semaphore(%run_scoped3A : memref<!tpu.dma_semaphore, #tpu.memory_space<semaphore_mem>>)
      %dma_wait3A = arith.constant 0 : i32
      %dma_wait3A_19 = tpu.memref_slice %arg6[%add3A_15, %dma_wait3A] : memref<20480x128xf32, #tpu.memory_space<hbm>> -> memref<640x128xf32, #tpu.memory_space<hbm>>
      %dma_wait3A_20 = arith.constant 0 : i32
      %dma_wait3A_21 = tpu.memref_slice %arg10[%mul3A_10, %dma_wait3A_20] : memref<10240x128xf32, #tpu.memory_space<vmem_shared>> -> memref<640x128xf32, #tpu.memory_space<vmem_shared>>
      tpu.wait_dma2 semaphore(%run_scoped3A : memref<!tpu.dma_semaphore, #tpu.memory_space<semaphore_mem>>) src(%dma_wait3A_21 : memref<640x128xf32, #tpu.memory_space<vmem_shared>>) dst(%dma_wait3A_19 : memref<640x128xf32, #tpu.memory_space<hbm>>)
      tpu.yield
    }) : () -> ()
    return
  }
}

module attributes {stable_mosaic.version = 14 : i64} {
  func.func @_tc_dinv_body(%arg0: memref<32x10000xf32, #tpu.memory_space<vmem>>, %arg1: memref<1x10000xf32, #tpu.memory_space<vmem>>) attributes {dimension_semantics = [], scalar_prefetch = 0 : i64, scratch_operands = 0 : i64, tpu.core_type = #tpu.core_type<tc>} {
    %get3A = arith.constant 0 : index
    %get3A_0 = arith.constant 0 : index
    %get3A_1 = vector.load %arg0[%get3A, %get3A_0] : memref<32x10000xf32, #tpu.memory_space<vmem>>, vector<32x10000xf32>
    %reduce_sum3A = arith.constant dense<0.000000e+00> : vector<10000xf32>
    %reduce_sum3A_2 = vector.multi_reduction <add>, %get3A_1, %reduce_sum3A [0] : vector<32x10000xf32> to vector<10000xf32>
    %gt3A = arith.constant 0.000000e+00 : f32
    %gt3A_3 = vector.broadcast %gt3A : f32 to vector<10000xf32>
    %gt3A_4 = arith.cmpf ogt, %reduce_sum3A_2, %gt3A_3 : vector<10000xf32>
    %rsqrt3A = math.rsqrt %reduce_sum3A_2 : vector<10000xf32>
    %jit3A = arith.constant 0.000000e+00 : f32
    %broadcast_in_dim3A = vector.broadcast %jit3A : f32 to vector<10000xf32>
    %select_n3A = arith.select %gt3A_4, %rsqrt3A, %broadcast_in_dim3A : vector<10000xi1>, vector<10000xf32>
    %broadcast_in_dim3A_5 = vector.shape_cast %select_n3A : vector<10000xf32> to vector<1x10000xf32>
    %swap3A = arith.constant 0 : index
    %swap3A_6 = arith.constant 0 : index
    %swap3A_7 = vector.load %arg1[%swap3A, %swap3A_6] : memref<1x10000xf32, #tpu.memory_space<vmem>>, vector<1x10000xf32>
    tpu.vector_store %arg1[%swap3A, %swap3A_6], %broadcast_in_dim3A_5 {strides = array<i32>} : memref<1x10000xf32, #tpu.memory_space<vmem>>, vector<1x10000xf32>,
    return
  }
}

module attributes {stable_mosaic.version = 14 : i64} {
  func.func @_tc_ws_body(%arg0: i32, %arg1: memref<2000x16xf32, #tpu.memory_space<vmem>>, %arg2: memref<2000x1xf32, #tpu.memory_space<vmem>>, %arg3: memref<2000x16xf32, #tpu.memory_space<vmem>>) attributes {dimension_semantics = [#tpu.dimension_semantics<arbitrary>], iteration_bounds = array<i64: 160>, scalar_prefetch = 0 : i64, scratch_operands = 0 : i64, tpu.core_type = #tpu.core_type<tc>, window_params = [{transform_indices = @transform_0, window_bounds = array<i64: 2000, 16>}, {transform_indices = @transform_1, window_bounds = array<i64: 2000, 1>}, {transform_indices = @transform_2, window_bounds = array<i64: 2000, 16>}]} {
    %get3A = arith.constant 0 : index
    %get3A_0 = arith.constant 0 : index
    %get3A_1 = vector.load %arg1[%get3A, %get3A_0] : memref<2000x16xf32, #tpu.memory_space<vmem>>, vector<2000x16xf32>
    %get3A_2 = arith.constant 0 : index
    %get3A_3 = arith.constant 0 : index
    %get3A_4 = vector.load %arg2[%get3A_2, %get3A_3] : memref<2000x1xf32, #tpu.memory_space<vmem>>, vector<2000x1xf32>
    %mul3A = vector.broadcast %get3A_4 : vector<2000x1xf32> to vector<2000x16xf32>
    %mul3A_5 = arith.mulf %get3A_1, %mul3A : vector<2000x16xf32>
    %swap3A = arith.constant 0 : index
    %swap3A_6 = arith.constant 0 : index
    %swap3A_7 = vector.load %arg3[%swap3A, %swap3A_6] : memref<2000x16xf32, #tpu.memory_space<vmem>>, vector<2000x16xf32>
    tpu.vector_store %arg3[%swap3A, %swap3A_6], %mul3A_5 {strides = array<i32>} : memref<2000x16xf32, #tpu.memory_space<vmem>>, vector<2000x16xf32>,
    return
  }
  func.func @transform_0(%arg0: i32) -> (i32, i32) {
    %c0_i32 = arith.constant 0 : i32
    %c0_i32_0 = arith.constant 0 : i32
    return %arg0, %c0_i32 : i32, i32
  }
  func.func @transform_1(%arg0: i32) -> (i32, i32) {
    %c0_i32 = arith.constant 0 : i32
    %c0_i32_0 = arith.constant 0 : i32
    return %arg0, %c0_i32 : i32, i32
  }
  func.func @transform_2(%arg0: i32) -> (i32, i32) {
    %c0_i32 = arith.constant 0 : i32
    %c0_i32_0 = arith.constant 0 : i32
    return %arg0, %c0_i32 : i32, i32
  }
}

module attributes {stable_mosaic.version = 14 : i64} {
  func.func @_tc_lin_body(%arg0: i32, %arg1: memref<2000x128xf32, #tpu.memory_space<vmem>>, %arg2: memref<128x128xf32, #tpu.memory_space<vmem>>, %arg3: memref<1x128xf32, #tpu.memory_space<vmem>>, %arg4: memref<2000x1xf32, #tpu.memory_space<vmem>>, %arg5: memref<2000x128xf32, #tpu.memory_space<vmem>>, %arg6: memref<2000x128xf32, #tpu.memory_space<vmem>>) attributes {dimension_semantics = [#tpu.dimension_semantics<arbitrary>], iteration_bounds = array<i64: 5>, scalar_prefetch = 0 : i64, scratch_operands = 0 : i64, tpu.core_type = #tpu.core_type<tc>, window_params = [{transform_indices = @transform_0, window_bounds = array<i64: 2000, 128>}, {pipeline_mode = #tpu.pipeline_mode<synchronous>, transform_indices = @transform_1, window_bounds = array<i64: 128, 128>}, {pipeline_mode = #tpu.pipeline_mode<synchronous>, transform_indices = @transform_2, window_bounds = array<i64: 1, 128>}, {transform_indices = @transform_3, window_bounds = array<i64: 2000, 1>}, {transform_indices = @transform_4, window_bounds = array<i64: 2000, 128>}, {transform_indices = @transform_5, window_bounds = array<i64: 2000, 128>}]} {
    %get3A = arith.constant 0 : index
    %get3A_0 = arith.constant 0 : index
    %get3A_1 = vector.load %arg1[%get3A, %get3A_0] : memref<2000x128xf32, #tpu.memory_space<vmem>>, vector<2000x128xf32>
    %get3A_2 = arith.constant 0 : index
    %get3A_3 = arith.constant 0 : index
    %get3A_4 = vector.load %arg2[%get3A_2, %get3A_3] : memref<128x128xf32, #tpu.memory_space<vmem>>, vector<128x128xf32>
    %dot_general3A = arith.constant dense<0.000000e+00> : vector<2000x128xf32>
    %dot_general3A_5 = tpu.matmul %get3A_1, %get3A_4, %dot_general3A {dimension_numbers = #tpu.dot_dimension_numbers<[1], [0], [0], [1], [0, 0, 1, 1], [], []>, transpose_lhs_hint = false} : vector<2000x128xf32>, vector<128x128xf32>, vector<2000x128xf32> -> vector<2000x128xf32>
    %get3A_6 = arith.constant 0 : index
    %get3A_7 = arith.constant 0 : index
    %get3A_8 = vector.load %arg3[%get3A_6, %get3A_7] : memref<1x128xf32, #tpu.memory_space<vmem>>, vector<1x128xf32>
    %add3A = vector.broadcast %get3A_8 : vector<1x128xf32> to vector<2000x128xf32>
    %add3A_9 = arith.addf %dot_general3A_5, %add3A : vector<2000x128xf32>
    %swap3A = arith.constant 0 : index
    %swap3A_10 = arith.constant 0 : index
    %swap3A_11 = vector.load %arg5[%swap3A, %swap3A_10] : memref<2000x128xf32, #tpu.memory_space<vmem>>, vector<2000x128xf32>
    tpu.vector_store %arg5[%swap3A, %swap3A_10], %add3A_9 {strides = array<i32>} : memref<2000x128xf32, #tpu.memory_space<vmem>>, vector<2000x128xf32>,
    %get3A_12 = arith.constant 0 : index
    %get3A_13 = arith.constant 0 : index
    %get3A_14 = vector.load %arg4[%get3A_12, %get3A_13] : memref<2000x1xf32, #tpu.memory_space<vmem>>, vector<2000x1xf32>
    %mul3A = vector.broadcast %get3A_14 : vector<2000x1xf32> to vector<2000x128xf32>
    %mul3A_15 = arith.mulf %add3A_9, %mul3A : vector<2000x128xf32>
    %swap3A_16 = arith.constant 0 : index
    %swap3A_17 = arith.constant 0 : index
    %swap3A_18 = vector.load %arg6[%swap3A_16, %swap3A_17] : memref<2000x128xf32, #tpu.memory_space<vmem>>, vector<2000x128xf32>
    tpu.vector_store %arg6[%swap3A_16, %swap3A_17], %mul3A_15 {strides = array<i32>} : memref<2000x128xf32, #tpu.memory_space<vmem>>, vector<2000x128xf32>,
    return
  }
  func.func @transform_0(%arg0: i32) -> (i32, i32) {
    %c0_i32 = arith.constant 0 : i32
    %c0_i32_0 = arith.constant 0 : i32
    return %arg0, %c0_i32 : i32, i32
  }
  func.func @transform_1(%arg0: i32) -> (i32, i32) {
    %c0_i32 = arith.constant 0 : i32
    %c0_i32_0 = arith.constant 0 : i32
    %c0_i32_1 = arith.constant 0 : i32
    return %c0_i32, %c0_i32_0 : i32, i32
  }
  func.func @transform_2(%arg0: i32) -> (i32, i32) {
    %c0_i32 = arith.constant 0 : i32
    %c0_i32_0 = arith.constant 0 : i32
    %c0_i32_1 = arith.constant 0 : i32
    return %c0_i32, %c0_i32_0 : i32, i32
  }
  func.func @transform_3(%arg0: i32) -> (i32, i32) {
    %c0_i32 = arith.constant 0 : i32
    %c0_i32_0 = arith.constant 0 : i32
    return %arg0, %c0_i32 : i32, i32
  }
  func.func @transform_4(%arg0: i32) -> (i32, i32) {
    %c0_i32 = arith.constant 0 : i32
    %c0_i32_0 = arith.constant 0 : i32
    return %arg0, %c0_i32 : i32, i32
  }
  func.func @transform_5(%arg0: i32) -> (i32, i32) {
    %c0_i32 = arith.constant 0 : i32
    %c0_i32_0 = arith.constant 0 : i32
    return %arg0, %c0_i32 : i32, i32
  }
}

module attributes {stable_mosaic.version = 14 : i64} {
  func.func @_tc_comb_lin_body(%arg0: i32, %arg1: memref<2x2000x128xf32, #tpu.memory_space<vmem>>, %arg2: memref<2x2000x16xf32, #tpu.memory_space<vmem>>, %arg3: memref<16x128xf32, #tpu.memory_space<vmem>>, %arg4: memref<2000x128xf32, #tpu.memory_space<vmem>>, %arg5: memref<2000x1xf32, #tpu.memory_space<vmem>>, %arg6: memref<128x128xf32, #tpu.memory_space<vmem>>, %arg7: memref<1x128xf32, #tpu.memory_space<vmem>>, %arg8: memref<2000x128xf32, #tpu.memory_space<vmem>>, %arg9: memref<2000x128xf32, #tpu.memory_space<vmem>>) attributes {dimension_semantics = [#tpu.dimension_semantics<arbitrary>], iteration_bounds = array<i64: 5>, scalar_prefetch = 0 : i64, scratch_operands = 0 : i64, tpu.core_type = #tpu.core_type<tc>, window_params = [{transform_indices = @transform_0, window_bounds = array<i64: 2, 2000, 128>}, {transform_indices = @transform_1, window_bounds = array<i64: 2, 2000, 16>}, {pipeline_mode = #tpu.pipeline_mode<synchronous>, transform_indices = @transform_2, window_bounds = array<i64: 16, 128>}, {transform_indices = @transform_3, window_bounds = array<i64: 2000, 128>}, {transform_indices = @transform_4, window_bounds = array<i64: 2000, 1>}, {pipeline_mode = #tpu.pipeline_mode<synchronous>, transform_indices = @transform_5, window_bounds = array<i64: 128, 128>}, {pipeline_mode = #tpu.pipeline_mode<synchronous>, transform_indices = @transform_6, window_bounds = array<i64: 1, 128>}, {transform_indices = @transform_7, window_bounds = array<i64: 2000, 128>}, {transform_indices = @transform_8, window_bounds = array<i64: 2000, 128>}]} {
    %get3A = arith.constant 0 : index
    %get3A_0 = arith.constant 0 : index
    %get3A_1 = arith.constant 0 : index
    %get3A_2 = vector.load %arg1[%get3A, %get3A_0, %get3A_1] : memref<2x2000x128xf32, #tpu.memory_space<vmem>>, vector<1x2000x128xf32>
    %get3A_3 = vector.shape_cast %get3A_2 : vector<1x2000x128xf32> to vector<2000x128xf32>
    %get3A_4 = arith.constant 1 : index
    %get3A_5 = arith.constant 0 : index
    %get3A_6 = arith.constant 0 : index
    %get3A_7 = vector.load %arg1[%get3A_4, %get3A_5, %get3A_6] : memref<2x2000x128xf32, #tpu.memory_space<vmem>>, vector<1x2000x128xf32>
    %get3A_8 = vector.shape_cast %get3A_7 : vector<1x2000x128xf32> to vector<2000x128xf32>
    %add3A = arith.addf %get3A_3, %get3A_8 : vector<2000x128xf32>
    %get3A_9 = arith.constant 0 : index
    %get3A_10 = arith.constant 0 : index
    %get3A_11 = arith.constant 0 : index
    %get3A_12 = vector.load %arg2[%get3A_9, %get3A_10, %get3A_11] : memref<2x2000x16xf32, #tpu.memory_space<vmem>>, vector<1x2000x16xf32>
    %get3A_13 = vector.shape_cast %get3A_12 : vector<1x2000x16xf32> to vector<2000x16xf32>
    %get3A_14 = arith.constant 1 : index
    %get3A_15 = arith.constant 0 : index
    %get3A_16 = arith.constant 0 : index
    %get3A_17 = vector.load %arg2[%get3A_14, %get3A_15, %get3A_16] : memref<2x2000x16xf32, #tpu.memory_space<vmem>>, vector<1x2000x16xf32>
    %get3A_18 = vector.shape_cast %get3A_17 : vector<1x2000x16xf32> to vector<2000x16xf32>
    %add3A_19 = arith.addf %get3A_13, %get3A_18 : vector<2000x16xf32>
    %get3A_20 = arith.constant 0 : index
    %get3A_21 = arith.constant 0 : index
    %get3A_22 = vector.load %arg3[%get3A_20, %get3A_21] : memref<16x128xf32, #tpu.memory_space<vmem>>, vector<16x128xf32>
    %dot_general3A = arith.constant dense<0.000000e+00> : vector<2000x128xf32>
    %dot_general3A_23 = tpu.matmul %add3A_19, %get3A_22, %dot_general3A {dimension_numbers = #tpu.dot_dimension_numbers<[1], [0], [0], [1], [0, 0, 1, 1], [], []>, transpose_lhs_hint = false} : vector<2000x16xf32>, vector<16x128xf32>, vector<2000x128xf32> -> vector<2000x128xf32>
    %add3A_24 = arith.addf %add3A, %dot_general3A_23 : vector<2000x128xf32>
    %get3A_25 = arith.constant 0 : index
    %get3A_26 = arith.constant 0 : index
    %get3A_27 = vector.load %arg5[%get3A_25, %get3A_26] : memref<2000x1xf32, #tpu.memory_space<vmem>>, vector<2000x1xf32>
    %mul3A = vector.broadcast %get3A_27 : vector<2000x1xf32> to vector<2000x128xf32>
    %mul3A_28 = arith.mulf %mul3A, %add3A_24 : vector<2000x128xf32>
    %get3A_29 = arith.constant 0 : index
    %get3A_30 = arith.constant 0 : index
    %get3A_31 = vector.load %arg4[%get3A_29, %get3A_30] : memref<2000x128xf32, #tpu.memory_space<vmem>>, vector<2000x128xf32>
    %add3A_32 = arith.addf %mul3A_28, %get3A_31 : vector<2000x128xf32>
    %max3A = arith.constant 0.000000e+00 : f32
    %max3A_33 = vector.broadcast %max3A : f32 to vector<2000x128xf32>
    %max3A_34 = arith.maximumf %add3A_32, %max3A_33 : vector<2000x128xf32>
    %get3A_35 = arith.constant 0 : index
    %get3A_36 = arith.constant 0 : index
    %get3A_37 = vector.load %arg6[%get3A_35, %get3A_36] : memref<128x128xf32, #tpu.memory_space<vmem>>, vector<128x128xf32>
    %dot_general3A_38 = arith.constant dense<0.000000e+00> : vector<2000x128xf32>
    %dot_general3A_39 = tpu.matmul %max3A_34, %get3A_37, %dot_general3A_38 {dimension_numbers = #tpu.dot_dimension_numbers<[1], [0], [0], [1], [0, 0, 1, 1], [], []>, transpose_lhs_hint = false} : vector<2000x128xf32>, vector<128x128xf32>, vector<2000x128xf32> -> vector<2000x128xf32>
    %get3A_40 = arith.constant 0 : index
    %get3A_41 = arith.constant 0 : index
    %get3A_42 = vector.load %arg7[%get3A_40, %get3A_41] : memref<1x128xf32, #tpu.memory_space<vmem>>, vector<1x128xf32>
    %add3A_43 = vector.broadcast %get3A_42 : vector<1x128xf32> to vector<2000x128xf32>
    %add3A_44 = arith.addf %dot_general3A_39, %add3A_43 : vector<2000x128xf32>
    %swap3A = arith.constant 0 : index
    %swap3A_45 = arith.constant 0 : index
    %swap3A_46 = vector.load %arg8[%swap3A, %swap3A_45] : memref<2000x128xf32, #tpu.memory_space<vmem>>, vector<2000x128xf32>
    tpu.vector_store %arg8[%swap3A, %swap3A_45], %add3A_44 {strides = array<i32>} : memref<2000x128xf32, #tpu.memory_space<vmem>>, vector<2000x128xf32>,
    %get3A_47 = arith.constant 0 : index
    %get3A_48 = arith.constant 0 : index
    %get3A_49 = vector.load %arg5[%get3A_47, %get3A_48] : memref<2000x1xf32, #tpu.memory_space<vmem>>, vector<2000x1xf32>
    %mul3A_50 = vector.broadcast %get3A_49 : vector<2000x1xf32> to vector<2000x128xf32>
    %mul3A_51 = arith.mulf %add3A_44, %mul3A_50 : vector<2000x128xf32>
    %swap3A_52 = arith.constant 0 : index
    %swap3A_53 = arith.constant 0 : index
    %swap3A_54 = vector.load %arg9[%swap3A_52, %swap3A_53] : memref<2000x128xf32, #tpu.memory_space<vmem>>, vector<2000x128xf32>
    tpu.vector_store %arg9[%swap3A_52, %swap3A_53], %mul3A_51 {strides = array<i32>} : memref<2000x128xf32, #tpu.memory_space<vmem>>, vector<2000x128xf32>,
    return
  }
  func.func @transform_0(%arg0: i32) -> (i32, i32, i32) {
    %c0_i32 = arith.constant 0 : i32
    %c0_i32_0 = arith.constant 0 : i32
    %c0_i32_1 = arith.constant 0 : i32
    return %c0_i32, %arg0, %c0_i32_0 : i32, i32, i32
  }
  func.func @transform_1(%arg0: i32) -> (i32, i32, i32) {
    %c0_i32 = arith.constant 0 : i32
    %c0_i32_0 = arith.constant 0 : i32
    %c0_i32_1 = arith.constant 0 : i32
    return %c0_i32, %arg0, %c0_i32_0 : i32, i32, i32
  }
  func.func @transform_2(%arg0: i32) -> (i32, i32) {
    %c0_i32 = arith.constant 0 : i32
    %c0_i32_0 = arith.constant 0 : i32
    %c0_i32_1 = arith.constant 0 : i32
    return %c0_i32, %c0_i32_0 : i32, i32
  }
  func.func @transform_3(%arg0: i32) -> (i32, i32) {
    %c0_i32 = arith.constant 0 : i32
    %c0_i32_0 = arith.constant 0 : i32
    return %arg0, %c0_i32 : i32, i32
  }
  func.func @transform_4(%arg0: i32) -> (i32, i32) {
    %c0_i32 = arith.constant 0 : i32
    %c0_i32_0 = arith.constant 0 : i32
    return %arg0, %c0_i32 : i32, i32
  }
  func.func @transform_5(%arg0: i32) -> (i32, i32) {
    %c0_i32 = arith.constant 0 : i32
    %c0_i32_0 = arith.constant 0 : i32
    %c0_i32_1 = arith.constant 0 : i32
    return %c0_i32, %c0_i32_0 : i32, i32
  }
  func.func @transform_6(%arg0: i32) -> (i32, i32) {
    %c0_i32 = arith.constant 0 : i32
    %c0_i32_0 = arith.constant 0 : i32
    %c0_i32_1 = arith.constant 0 : i32
    return %c0_i32, %c0_i32_0 : i32, i32
  }
  func.func @transform_7(%arg0: i32) -> (i32, i32) {
    %c0_i32 = arith.constant 0 : i32
    %c0_i32_0 = arith.constant 0 : i32
    return %arg0, %c0_i32 : i32, i32
  }
  func.func @transform_8(%arg0: i32) -> (i32, i32) {
    %c0_i32 = arith.constant 0 : i32
    %c0_i32_0 = arith.constant 0 : i32
    return %arg0, %c0_i32 : i32, i32
  }
}

module attributes {stable_mosaic.version = 14 : i64} {
  func.func @_tc_final_body(%arg0: i32, %arg1: memref<2x2000x128xf32, #tpu.memory_space<vmem>>, %arg2: memref<2x2000x16xf32, #tpu.memory_space<vmem>>, %arg3: memref<16x128xf32, #tpu.memory_space<vmem>>, %arg4: memref<2000x128xf32, #tpu.memory_space<vmem>>, %arg5: memref<2000x1xf32, #tpu.memory_space<vmem>>, %arg6: memref<2000x128xf32, #tpu.memory_space<vmem>>) attributes {dimension_semantics = [#tpu.dimension_semantics<arbitrary>], iteration_bounds = array<i64: 5>, scalar_prefetch = 0 : i64, scratch_operands = 0 : i64, tpu.core_type = #tpu.core_type<tc>, window_params = [{transform_indices = @transform_0, window_bounds = array<i64: 2, 2000, 128>}, {transform_indices = @transform_1, window_bounds = array<i64: 2, 2000, 16>}, {pipeline_mode = #tpu.pipeline_mode<synchronous>, transform_indices = @transform_2, window_bounds = array<i64: 16, 128>}, {transform_indices = @transform_3, window_bounds = array<i64: 2000, 128>}, {transform_indices = @transform_4, window_bounds = array<i64: 2000, 1>}, {transform_indices = @transform_5, window_bounds = array<i64: 2000, 128>}]} {
    %get3A = arith.constant 0 : index
    %get3A_0 = arith.constant 0 : index
    %get3A_1 = arith.constant 0 : index
    %get3A_2 = vector.load %arg1[%get3A, %get3A_0, %get3A_1] : memref<2x2000x128xf32, #tpu.memory_space<vmem>>, vector<1x2000x128xf32>
    %get3A_3 = vector.shape_cast %get3A_2 : vector<1x2000x128xf32> to vector<2000x128xf32>
    %get3A_4 = arith.constant 1 : index
    %get3A_5 = arith.constant 0 : index
    %get3A_6 = arith.constant 0 : index
    %get3A_7 = vector.load %arg1[%get3A_4, %get3A_5, %get3A_6] : memref<2x2000x128xf32, #tpu.memory_space<vmem>>, vector<1x2000x128xf32>
    %get3A_8 = vector.shape_cast %get3A_7 : vector<1x2000x128xf32> to vector<2000x128xf32>
    %add3A = arith.addf %get3A_3, %get3A_8 : vector<2000x128xf32>
    %get3A_9 = arith.constant 0 : index
    %get3A_10 = arith.constant 0 : index
    %get3A_11 = arith.constant 0 : index
    %get3A_12 = vector.load %arg2[%get3A_9, %get3A_10, %get3A_11] : memref<2x2000x16xf32, #tpu.memory_space<vmem>>, vector<1x2000x16xf32>
    %get3A_13 = vector.shape_cast %get3A_12 : vector<1x2000x16xf32> to vector<2000x16xf32>
    %get3A_14 = arith.constant 1 : index
    %get3A_15 = arith.constant 0 : index
    %get3A_16 = arith.constant 0 : index
    %get3A_17 = vector.load %arg2[%get3A_14, %get3A_15, %get3A_16] : memref<2x2000x16xf32, #tpu.memory_space<vmem>>, vector<1x2000x16xf32>
    %get3A_18 = vector.shape_cast %get3A_17 : vector<1x2000x16xf32> to vector<2000x16xf32>
    %add3A_19 = arith.addf %get3A_13, %get3A_18 : vector<2000x16xf32>
    %get3A_20 = arith.constant 0 : index
    %get3A_21 = arith.constant 0 : index
    %get3A_22 = vector.load %arg3[%get3A_20, %get3A_21] : memref<16x128xf32, #tpu.memory_space<vmem>>, vector<16x128xf32>
    %dot_general3A = arith.constant dense<0.000000e+00> : vector<2000x128xf32>
    %dot_general3A_23 = tpu.matmul %add3A_19, %get3A_22, %dot_general3A {dimension_numbers = #tpu.dot_dimension_numbers<[1], [0], [0], [1], [0, 0, 1, 1], [], []>, transpose_lhs_hint = false} : vector<2000x16xf32>, vector<16x128xf32>, vector<2000x128xf32> -> vector<2000x128xf32>
    %add3A_24 = arith.addf %add3A, %dot_general3A_23 : vector<2000x128xf32>
    %get3A_25 = arith.constant 0 : index
    %get3A_26 = arith.constant 0 : index
    %get3A_27 = vector.load %arg5[%get3A_25, %get3A_26] : memref<2000x1xf32, #tpu.memory_space<vmem>>, vector<2000x1xf32>
    %mul3A = vector.broadcast %get3A_27 : vector<2000x1xf32> to vector<2000x128xf32>
    %mul3A_28 = arith.mulf %mul3A, %add3A_24 : vector<2000x128xf32>
    %get3A_29 = arith.constant 0 : index
    %get3A_30 = arith.constant 0 : index
    %get3A_31 = vector.load %arg4[%get3A_29, %get3A_30] : memref<2000x128xf32, #tpu.memory_space<vmem>>, vector<2000x128xf32>
    %add3A_32 = arith.addf %mul3A_28, %get3A_31 : vector<2000x128xf32>
    %swap3A = arith.constant 0 : index
    %swap3A_33 = arith.constant 0 : index
    %swap3A_34 = vector.load %arg6[%swap3A, %swap3A_33] : memref<2000x128xf32, #tpu.memory_space<vmem>>, vector<2000x128xf32>
    tpu.vector_store %arg6[%swap3A, %swap3A_33], %add3A_32 {strides = array<i32>} : memref<2000x128xf32, #tpu.memory_space<vmem>>, vector<2000x128xf32>,
    return
  }
  func.func @transform_0(%arg0: i32) -> (i32, i32, i32) {
    %c0_i32 = arith.constant 0 : i32
    %c0_i32_0 = arith.constant 0 : i32
    %c0_i32_1 = arith.constant 0 : i32
    return %c0_i32, %arg0, %c0_i32_0 : i32, i32, i32
  }
  func.func @transform_1(%arg0: i32) -> (i32, i32, i32) {
    %c0_i32 = arith.constant 0 : i32
    %c0_i32_0 = arith.constant 0 : i32
    %c0_i32_1 = arith.constant 0 : i32
    return %c0_i32, %arg0, %c0_i32_0 : i32, i32, i32
  }
  func.func @transform_2(%arg0: i32) -> (i32, i32) {
    %c0_i32 = arith.constant 0 : i32
    %c0_i32_0 = arith.constant 0 : i32
    %c0_i32_1 = arith.constant 0 : i32
    return %c0_i32, %c0_i32_0 : i32, i32
  }
  func.func @transform_3(%arg0: i32) -> (i32, i32) {
    %c0_i32 = arith.constant 0 : i32
    %c0_i32_0 = arith.constant 0 : i32
    return %arg0, %c0_i32 : i32, i32
  }
  func.func @transform_4(%arg0: i32) -> (i32, i32) {
    %c0_i32 = arith.constant 0 : i32
    %c0_i32_0 = arith.constant 0 : i32
    return %arg0, %c0_i32 : i32, i32
  }
  func.func @transform_5(%arg0: i32) -> (i32, i32) {
    %c0_i32 = arith.constant 0 : i32
    %c0_i32_0 = arith.constant 0 : i32
    return %arg0, %c0_i32 : i32, i32
  }
}

</mosaic_0001>

<sc_bundles>
// kernel: kernel.14.cloned.1.call-start
scs
__scs_entry_jumppad:
0x0: {  	(pc) =	sbr.rel $0x88, $3  }
0x1: {  	(tag) =	ssettag $0x0;
	lr =	simm.s32 $0x1  }
0x2: {  	[smem:$0x3F97] =	sst lr;
	_ =	strace $0xD0000000  }
0x3: {  	_ = 	snop  }
0x4: {  	_ = 	snop  }
0x5: {  	_ = 	snop  }
0x6: {  	_ = 	snop  }
0x7: {  	_ = 	snop  }
__scs_overlays_trampoline_lowered:
0x8: {  	[smem:$0x3FA6] =	sst s0  }
0x9: {  	[smem:$0x3FA7] =	sst s1  }
0xa: {  	[smem:$0x3FA8] =	sst s2  }
0xb: {  	[smem:$0x3FA9] =	sst s3  }
0xc: {  	[smem:$0x3FAA] =	sst s4  }
0xd: {  	[smem:$0x3FAB] =	sst s5  }
0xe: {  	[smem:$0x3FAC] =	sst s6  }
0xf: {  	[smem:$0x3FAD] =	sst s7  }
0x10: {  	[smem:$0x3FAE] =	sst s8  }
0x11: {  	[smem:$0x3FAF] =	sst s9;
	s0 =	simm.s32 @!p0 $0x0  }
0x12: {  	s1 =	sld [smem:$0x3F95];
	s0 =	simm.s32 @p0 $0x1  }
0x13: {  	[smem:$0x3FB0] =	sst s0;
	s0 =	simm.s32 @!p1 $0x0  }
0x14: {  	s2 =	sld [smem:$0x3F94];
	s0 =	simm.s32 @p1 $0x1  }
0x15: {  	[smem:$0x3FB1] =	sst s0;
	s0 =	simm.s32 @!p2 $0x0  }
0x16: {  	s3 =	sld [smem:$0x3FDB];
	s0 =	simm.s32 @p2 $0x1  }
0x17: {  	s4 =	simm.s32 $0x1BF5;
	[smem:$0x3FB3] =	sst s0  }
0x18: {  	s0 =	sld [smem:$0x3F96];
	_ =	swait.ge [sflag:s4], $0x0  }
0x19: {  	s7 =	sld [smem:$0x3F97]  }
0x1a: {  	s8 =	sadd.s32 $0xFFFFE003, lr  }
0x1b: {  	s9 =	sadd.s32 $0xFFFFFEF7, lr;
	s5 =	simm.s32 $0xFFFFFFFF;
	p2 =	slt.u32 s8, $0xFFFFF086  }
0x1c: {  	p1 =	slt.u32 s9, $0xF7A;
	s5 =	simm.s32 @!p2 $0x0  }
0x1d: {  	s5 =	simm.s32 @p1 $0x1;
	p0 =	seq.s32 s7, s2  }
0x1e: {  	s7 =	smul.u32 @!p0 $0xF7A, s2;
	p2 =	seq.s32 @!p0 s5, $0x0  }
0x1f: {  	s9 =	smul.u32 $0xF7A, s1;
	s8 =	simm.s32 @!p0 $0x1BF5;
	p2 =	por !p2, p0  }
0x20: {  	[sflag:s8] =	ssyncset.s32 @!p0 $0xFFFFF086;
	s6 =	sadd.s32 @!p0 s3, s7;
	s7 =	simm.s32 @!p0 $0x108  }
0x21: {  	s3 =	sadd.s32 s3, s9;
	s6 =	sadd.s32 @!p0 $0x88, s6;
	s7 =	simm.s32 @p2 $0x1082  }
0x22: {  	[simem:s7], [sflag:s8] =	dma.local @!p0 [hbm:s6], $0xF7A  }
0x23: {  	s9 =	sor.u32 $0xD0000000, s2;
	s6 =	simm.s32 $0x108;
	_ =	swait.ge @!p0 [sflag:s8], $0x0  }
0x24: {  	s3 =	sadd.s32 $0x88, s3;
	s6 =	simm.s32 @!p1 $0x1082;
	[sflag:s4] =	ssyncset.s32 $0xFFFFF086  }
0x25: {  	[simem:s6], [sflag:s4] =	dma.local [hbm:s3], $0xF7A  }
0x26: {  	[smem:$0x3F97] =	sst s1;
	(tag) =	ssettag s2;
	_ =	strace s9  }
0x27: {  	s1 =	sld [smem:$0x3FA7]  }
0x28: {  	s2 =	sld [smem:$0x3FA8]  }
0x29: {  	s4 =	sld [smem:$0x3FAA]  }
0x2a: {  	p0 =	seq.s32 s5, $0x0;
	s5 =	sld [smem:$0x3FAB]  }
0x2b: {  	s6 =	sld [smem:$0x3FAC]  }
0x2c: {  	s7 =	sld [smem:$0x3FAD]  }
0x2d: {  	s3 =	simm.s32 $0x108;
	s8 =	sld [smem:$0x3FAE]  }
0x2e: {  	s3 =	simm.s32 @!p0 $0x1082;
	s9 =	sld [smem:$0x3FAF]  }
0x2f: {  	lr =	sadd.s32 s0, s3;
	s0 =	sld [smem:$0x3FA6]  }
0x30: {  	s3 =	sld [smem:$0x3FA9]  }
0x31: {  	[smem:$0x3FB2] =	sst s10  }
0x32: {  	s10 =	sld [smem:$0x3FB0];
	_ =	sdelay $0x3  }
0x33: {  	p0 =	seq.s32 s10, $0x1;
	s10 =	sld [smem:$0x3FB2];
	_ =	sdelay $0x3  }
0x34: {  	[smem:$0x3FB2] =	sst s10  }
0x35: {  	s10 =	sld [smem:$0x3FB1];
	_ =	sdelay $0x3  }
0x36: {  	p1 =	seq.s32 s10, $0x1;
	s10 =	sld [smem:$0x3FB2];
	_ =	sdelay $0x3  }
0x37: {  	[smem:$0x3FB2] =	sst s10  }
0x38: {  	s10 =	sld [smem:$0x3FB3]  }
0x39: {  	_ = 	snop;
	(pc) =	sbr.ind lr, $3  }
0x3a: {  	_ = 	snop  }
0x3b: {  	_ = 	snop  }
0x3c: {  	p2 =	seq.s32 s10, $0x1;
	s10 =	sld [smem:$0x3FB2]  }
0x3d: {  	_ =	shalt  }
0x3e: {  	_ =	shalt  }
0x3f: {  	_ =	shalt  }
0x40: {  	_ =	shalt  }
0x41: {  	_ =	shalt  }
0x42: {  	_ =	shalt  }
0x43: {  	_ =	shalt  }
0x44: {  	_ =	shalt  }
0x45: {  	_ =	shalt  }
0x46: {  	_ =	shalt  }
0x47: {  	_ =	shalt  }
0x48: {  	_ =	shalt  }
0x49: {  	_ =	shalt  }
0x4a: {  	_ =	shalt  }
0x4b: {  	_ =	shalt  }
0x4c: {  	_ =	shalt  }
0x4d: {  	_ =	shalt  }
0x4e: {  	_ =	shalt  }
0x4f: {  	_ =	shalt  }
0x50: {  	_ =	shalt  }
0x51: {  	_ =	shalt  }
0x52: {  	_ =	shalt  }
0x53: {  	_ =	shalt  }
0x54: {  	_ =	shalt  }
0x55: {  	_ =	shalt  }
0x56: {  	_ =	shalt  }
0x57: {  	_ =	shalt  }
0x58: {  	_ =	shalt  }
0x59: {  	_ =	shalt  }
0x5a: {  	_ =	shalt  }
0x5b: {  	_ =	shalt  }
0x5c: {  	_ =	shalt  }
0x5d: {  	_ =	shalt  }
0x5e: {  	_ =	shalt  }
0x5f: {  	_ =	shalt  }
0x60: {  	_ =	shalt  }
0x61: {  	_ =	shalt  }
0x62: {  	_ =	shalt  }
0x63: {  	_ =	shalt  }
0x64: {  	_ =	shalt  }
0x65: {  	_ =	shalt  }
0x66: {  	_ =	shalt  }
0x67: {  	_ =	shalt  }
0x68: {  	_ =	shalt  }
0x69: {  	_ =	shalt  }
0x6a: {  	_ =	shalt  }
0x6b: {  	_ =	shalt  }
0x6c: {  	_ =	shalt  }
0x6d: {  	_ =	shalt  }
0x6e: {  	_ =	shalt  }
0x6f: {  	_ =	shalt  }
0x70: {  	_ =	shalt  }
0x71: {  	_ =	shalt  }
0x72: {  	_ =	shalt  }
0x73: {  	_ =	shalt  }
0x74: {  	_ =	shalt  }
0x75: {  	_ =	shalt  }
0x76: {  	_ =	shalt  }
0x77: {  	_ =	shalt  }
0x78: {  	_ =	shalt  }
0x79: {  	_ =	shalt  }
0x7a: {  	_ =	shalt  }
0x7b: {  	_ =	shalt  }
0x7c: {  	_ =	shalt  }
0x7d: {  	_ =	shalt  }
0x7e: {  	_ =	shalt  }
0x7f: {  	_ =	shalt  }
0x80: {  	_ =	shalt  }
0x81: {  	_ =	shalt  }
0x82: {  	_ =	shalt  }
0x83: {  	_ =	shalt  }
0x84: {  	_ =	shalt  }
0x85: {  	_ =	shalt  }
0x86: {  	_ =	shalt  }
0x87: {  	_ =	shalt  }
.Lfunc_end0:
.L_simem_size_0:
called_computation_lowered:
.L_overlay_start_0:
0x88: {  	s2 =	sld [smem:$0x3FD9]  }
0x89: {  	s3 =	sld [smem:$0x3FFE];
	_ =	sdelay $0x1  }
0x8a: {  	s1 =	srdreg.scid  }
0x8b: {  	s0 =	sand.u32 $0x1, s1  }
0x8c: {  	s17 =	sshll.u32 s0, $0xA;
	s2 =	sadd.s32 s3, s2  }
0x8d: {  	s2 =	sadd.s32 s2, s17  }
0x8e: {  	[smem:$0x3FBE] =	sst s2  }
0x8f: {  	_ = 	snop  }
0x90: {  	s2 =	sld [smem:$0x3FD0];
	(tm) =	ssettm $0x1  }
0x91: {  	s18 =	sld [smem:$0x3FFB];
	_ =	sdelay $0x3  }
0x92: {  	_ =	strace s18  }
0x93: {  	s3 =	sld [smem:$0x3FFC];
	_ =	sdelay $0x3  }
0x94: {  	_ =	strace s3  }
0x95: {  	s3 =	sld [smem:$0x3FFD];
	_ =	sdelay $0x3  }
0x96: {  	_ =	strace s3  }
0x97: {  	_ =	strace $0x8FFFFFFF  }
0x98: {  	s19 =	sld [smem:$0x3FDB];
	_ =	sdelay $0x1  }
0x99: {  	s4 =	simm.s32 $_scs_section_size  }
0x9a: {  	s5 =	simm.s32 $_size__tile_overlayer_lowered;
	s6 =	simm.s32 $_tile_overlayer_lowered  }
0x9b: {  	s22 =	simm.s32 $0x1BFF;
	s21 =	sshll.u32 s6, $0x1;
	s3 =	sadd.s32 s4, s19  }
0x9c: {  	s7 =	simm.s32 $0x0;
	s20 =	sshll.u32 s5, $0x1;
	s5 =	sadd.s32 s21, s3  }
0x9d: {  	[timem:s7], [sflag:s22] =	dma.local [hbm:s5], s20  }
0x9e: {  	_ =	swait.ge [sflag:s22], s20  }
0x9f: {  	s4 =	ssub.s32 $0x0, s20;
	[sflag:s22] =	ssyncset.done $0x0  }
0xa0: {  	[sflag:s22] =	ssyncadd.s32 s4;
	_ =	sdelay $0x1  }
0xa1: {  	s23 =	simm.s32 $0x1B8B  }
0xa2: {  	_ =	swait.ge [sflag:s23], $0x1  }
0xa3: {  	[sflag:s23] =	ssyncset.done $0x0  }
0xa4: {  	s25 =	simm.s32 $0x1B8E;
	s24 =	sld [smem:$0x3FFE];
	[sflag:s23] =	ssyncadd.s32 $0xFFFFFFFF  }
0xa5: {  	s26 =	simm.s32 $execute0_lowered;
	[smem:$0x3FD2] =	sst s25  }
0xa6: {  	s5 =	sshll.u32 s26, $0x1;
	_ =	strace $0x80000046;
	[dreg:$0x1] =	wrdreg $0xFFFFFFFF  }
0xa7: {  	s28 =	simm.s32 $_size_execute0_lowered;
	s3 =	sadd.s32 s3, s5;
	[dreg:$0x0] =	wrdreg $0x0  }
0xa8: {  	s5 =	sshll.u32 s28, $0x1;
	[dreg:$0x2] =	wrdreg s3  }
0xa9: {  	[dreg:$0x3] =	wrdreg s5  }
0xaa: {  	[dreg:$0x4] =	wrdreg $0xC0  }
0xab: {  	_ =	task [dreg:s7], $0x5FFFF  }
0xac: {  	[dreg:$0x1] =	wrdreg $0xFFFFFFFF  }
0xad: {  	[dreg:$0x0] =	wrdreg $0x60  }
0xae: {  	[dreg:$0x2] =	wrdreg s24  }
0xaf: {  	[dreg:$0x3] =	wrdreg s2  }
0xb0: {  	[dreg:$0x4] =	wrdreg $0x9  }
0xb1: {  	_ =	task.clear_ibuf [dreg:s7], $0x5FFFF;
	_ =	strace $0x90000046  }
0xb2: {  	s29 =	simm.s32 $0x9;
	_ =	strace $0x80000048  }
0xb3: {  	_ =	swait.ge [sflag:s29], $0x1  }
0xb4: {  	[sflag:s29] =	ssyncadd.s32 $0xFFFFFFFF  }
0xb5: {  	_ =	strace $0x90000048  }
0xb6: {  	_ =	sfence  }
0xb7: {  	s30 =	sld [smem:$0x0];
	_ =	sdelay $0x2  }
0xb8: {  	s31 =	sshll.u32 s1, $0xD;
	s1 =	sshrl.u32 s1, $0x2  }
0xb9: {  	s3 =	sand.u32 $0x4000, s31;
	s1 =	sadd.s32 s1, s30  }
0xba: {  	s0 =	sor.u32 s3, s0;
	s1 =	sshll.u32 s1, $0x11  }
0xbb: {  	s0 =	sor.u32 s1, s0  }
0xbc: {  	s0 =	sadd.s32 $0x8F2B, s0  }
0xbd: {  	[sflag:s0] =	ssyncadd.remote.s32 $0x1  }
0xbe: {  	_ =	sfence.sel $0xFFFF  }
0xbf: {  	[dreg:$0x0] =	wrdreg $0xFFFFFFFF;
	(pc) =	sbr.abs _section_cstart, $3  }
0xc0: {  	[dreg:$0x1] =	wrdreg $0xFFFFFFFF  }
0xc1: {  	_ =	task.clear_ibuf [dreg:s7], $0x2FFFF;
	_ =	strace $0x9FFFFFFF  }
0xc2: {  	(tm) =	ssettm $0x7FFFFFFF  }
0xc3: {  	_ =	shalt  }
tec
execute0_lowered:
.L_overlay_start_1:
0x0: {  	(tag) =	ssettag $0x1  }
0x1: {  	s3 =	rddreg [dreg:$0x0];
	s1 =	srdreg.scid  }
0x2: {  	s0 =	stileid.u32;
	s4 =	rddreg [dreg:$0x1]  }
0x3: {  	s8 =	simm.s32 $0x0;
	s5 =	sand.u32 $0x1, s1;
	s2 =	sshll.u32 s0, $0x1  }
0x4: {  	s6 =	sor.u32 s5, s2;
	s2 =	simm.s32 $0x0;
	s5 =	ssub.s32 $0x2, s5  }
0x5: {  	s6 =	smul.u32 $0x4E2, s6;
	[smem:$0x7FF] =	sst s2;
	s7 =	sshrl.u32 s5, $0x1  }
0x6: {  	s1 =	rddreg [dreg:$0x2];
	_ =	strace $0x80000047;
	s5 =	ssub.s32 s5, s7  }
0x7: {  	s7 =	simm.s32 $0x2780;
	s3 =	sadd.s32 s6, s3;
	s4 =	sadd.s32 s4, s6  }
0x8: {  	v0 =	vimm.f32 $0.0e+00;
	v1 =	vimm.f32 $1.000000000e+00;
	s5 =	smax.u32 s5, $0x1;
	s6 =	simm.s32 $0x1;
	s3 =	sadd.s32 $0xD600, s3  }
.LBB2_1:
0x9: {  	[tilespmem:s2], [sflag:$0x1] =	stream.linear.gather [hbm4b:s3+s2], $0x2710, $0x38;
	[tilespmem:$0x4F00] =	vst v63  }
0xa: {  	_ =	swait.ge [sflag:s6], $0x2710  }
0xb: {  	[sflag:s6] =	ssyncset.done $0x0  }
0xc: {  	s9 =	simm.s32 $0x0;
	[sflag:s6] =	ssyncadd.s32 $0xFFFFD8F0  }
.LBB2_2:
0xd: {  	p0 =	sne.s32 s9, $0x9C00  }
.Ltmp0:
0xe: {  	_ = 	snop;
	(pc) =	sbr.rel @p0 .LBB2_2-.Ltmp0, $3  }
0xf: {  	_ =	sdelay $0x1  }
0x10: {  	s10 =	sshra.s32 s9, $0x2  }
0x11: {  	s9 =	sadd.s32 $0x40, s9;
	[tilespmem:s10+$0x2780] =	vst v0  }
0x12: {  	s10 =	simm.s32 $0x0;
	s9 =	simm.s32 $0x40  }
.LBB2_4:
0x13: {  	p0 =	sne.s32 s9, $0x9C00;
	v2 =	vld [tilespmem:s10+$0x0];
	_ =	sdelay $0x3  }
.Ltmp1:
0x14: {  	(pc) =	sbr.rel @p0 .LBB2_4-.Ltmp1, $2  }
0x15: {  	_ =	sdelay $0x2  }
0x16: {  	s10 =	sshra.s32 s9, $0x2;
	s9 =	sadd.s32 $0x40, s9;
	[tilespmem:v2+s7+$0x0] =	vst.idx.add.f32.msk $0xffff, v1  }
0x17: {  	v2 =	vld [tilespmem:s10+$0x0];
	_ =	sdelay $0x5  }
0x18: {  	s8 =	sadd.s32 $0x1, s8  }
0x19: {  	p0 =	sne.s32 s8, s5  }
.Ltmp2:
0x1a: {  	[tilespmem:v2+s7+$0x0] =	vst.idx.add.f32.msk $0xffff, v1;
	(pc) =	sbr.rel @p0 .LBB2_1-.Ltmp2, $4  }
0x1b: {  	[hbm4b:s4+s2] =	stream.linear.scatter [tilespmem:s7], [sflag:$0x1], $0x2710, $0x38;
	[tilespmem:$0x4F00] =	vst v63  }
0x1c: {  	_ =	swait.ge [sflag:s6], $0x2710  }
0x1d: {  	[sflag:s6] =	ssyncset.done $0x0  }
0x1e: {  	[sflag:s6] =	ssyncadd.s32 $0xFFFFD8F0  }
0x1f: {  	_ =	sfence.sel $0x180000  }
0x20: {  	[bflag:$0x0] =	sbarrier.arrive $0xFFFF  }
0x21: {  	p0 =	sne.s32 s0, $0x0;
	_ =	strace $0x90000047  }
0x22: {  	s0 =	sadd.s32 @!p0 $0x100000, s1;
	[bflag:$0x2] =	sbarrier.arrive $0xFFFF  }
0x23: {  	[sflag:s0] =	ssyncadd.tile.s32 @!p0 $0x1;
	_ =	shalt  }
.Lfunc_end2:
_tile_overlayer_lowered:
.L_overlay_start_2:
0x24: {  	(tag) =	ssettag $0x2  }
0x25: {  	s0 =	rddreg [dreg:$0x0];
	s2 =	stileid.u32  }
0x26: {  	s1 =	rddreg [dreg:$0x1];
	p0 =	sne.s32 s2, $0x0  }
0x27: {  	s3 =	rddreg [dreg:$0x2];
	[bflag:$0x3] =	sbarrier.arrive $0xFFFF;
	s2 =	simm.s32 @!p0 $0x1C01  }
0x28: {  	[timem:s3], [sflag:s2] =	dma.local @!p0 [hbm:s0], s1  }
0x29: {  	s0 =	simm.s32 @!p0 $0x1  }
0x2a: {  	_ =	swait.ge @!p0 [sflag:s0], s1  }
0x2b: {  	s1 =	ssub.s32 @!p0 $0x0, s1;
	[sflag:s0] =	ssyncset.done @!p0 $0x0  }
0x2c: {  	[sflag:s0] =	ssyncadd.s32 @!p0 s1  }
0x2d: {  	[bflag:$0x3] =	sbarrier.arrive $0xFFFF  }
0x2e: {  	_ =	shalt  }

// kernel: kernel.17.cloned.1.call-start
scs
__scs_entry_jumppad:
0x0: {  	(pc) =	sbr.rel $0x88, $3  }
0x1: {  	(tag) =	ssettag $0x0;
	lr =	simm.s32 $0x1  }
0x2: {  	[smem:$0x3F97] =	sst lr;
	_ =	strace $0xD0000000  }
0x3: {  	_ = 	snop  }
0x4: {  	_ = 	snop  }
0x5: {  	_ = 	snop  }
0x6: {  	_ = 	snop  }
0x7: {  	_ = 	snop  }
__scs_overlays_trampoline_lowered:
0x8: {  	[smem:$0x3FA6] =	sst s0  }
0x9: {  	[smem:$0x3FA7] =	sst s1  }
0xa: {  	[smem:$0x3FA8] =	sst s2  }
0xb: {  	[smem:$0x3FA9] =	sst s3  }
0xc: {  	[smem:$0x3FAA] =	sst s4  }
0xd: {  	[smem:$0x3FAB] =	sst s5  }
0xe: {  	[smem:$0x3FAC] =	sst s6  }
0xf: {  	[smem:$0x3FAD] =	sst s7  }
0x10: {  	[smem:$0x3FAE] =	sst s8  }
0x11: {  	[smem:$0x3FAF] =	sst s9;
	s0 =	simm.s32 @!p0 $0x0  }
0x12: {  	s1 =	sld [smem:$0x3F95];
	s0 =	simm.s32 @p0 $0x1  }
0x13: {  	[smem:$0x3FB0] =	sst s0;
	s0 =	simm.s32 @!p1 $0x0  }
0x14: {  	s2 =	sld [smem:$0x3F94];
	s0 =	simm.s32 @p1 $0x1  }
0x15: {  	[smem:$0x3FB1] =	sst s0;
	s0 =	simm.s32 @!p2 $0x0  }
0x16: {  	s3 =	sld [smem:$0x3FDB];
	s0 =	simm.s32 @p2 $0x1  }
0x17: {  	s4 =	simm.s32 $0x1BF5;
	[smem:$0x3FB3] =	sst s0  }
0x18: {  	s0 =	sld [smem:$0x3F96];
	_ =	swait.ge [sflag:s4], $0x0  }
0x19: {  	s7 =	sld [smem:$0x3F97]  }
0x1a: {  	s8 =	sadd.s32 $0xFFFFE003, lr  }
0x1b: {  	s9 =	sadd.s32 $0xFFFFFEF7, lr;
	s5 =	simm.s32 $0xFFFFFFFF;
	p2 =	slt.u32 s8, $0xFFFFF086  }
0x1c: {  	p1 =	slt.u32 s9, $0xF7A;
	s5 =	simm.s32 @!p2 $0x0  }
0x1d: {  	s5 =	simm.s32 @p1 $0x1;
	p0 =	seq.s32 s7, s2  }
0x1e: {  	s7 =	smul.u32 @!p0 $0xF7A, s2;
	p2 =	seq.s32 @!p0 s5, $0x0  }
0x1f: {  	s9 =	smul.u32 $0xF7A, s1;
	s8 =	simm.s32 @!p0 $0x1BF5;
	p2 =	por !p2, p0  }
0x20: {  	[sflag:s8] =	ssyncset.s32 @!p0 $0xFFFFF086;
	s6 =	sadd.s32 @!p0 s3, s7;
	s7 =	simm.s32 @!p0 $0x108  }
0x21: {  	s3 =	sadd.s32 s3, s9;
	s6 =	sadd.s32 @!p0 $0x88, s6;
	s7 =	simm.s32 @p2 $0x1082  }
0x22: {  	[simem:s7], [sflag:s8] =	dma.local @!p0 [hbm:s6], $0xF7A  }
0x23: {  	s9 =	sor.u32 $0xD0000000, s2;
	s6 =	simm.s32 $0x108;
	_ =	swait.ge @!p0 [sflag:s8], $0x0  }
0x24: {  	s3 =	sadd.s32 $0x88, s3;
	s6 =	simm.s32 @!p1 $0x1082;
	[sflag:s4] =	ssyncset.s32 $0xFFFFF086  }
0x25: {  	[simem:s6], [sflag:s4] =	dma.local [hbm:s3], $0xF7A  }
0x26: {  	[smem:$0x3F97] =	sst s1;
	(tag) =	ssettag s2;
	_ =	strace s9  }
0x27: {  	s1 =	sld [smem:$0x3FA7]  }
0x28: {  	s2 =	sld [smem:$0x3FA8]  }
0x29: {  	s4 =	sld [smem:$0x3FAA]  }
0x2a: {  	p0 =	seq.s32 s5, $0x0;
	s5 =	sld [smem:$0x3FAB]  }
0x2b: {  	s6 =	sld [smem:$0x3FAC]  }
0x2c: {  	s7 =	sld [smem:$0x3FAD]  }
0x2d: {  	s3 =	simm.s32 $0x108;
	s8 =	sld [smem:$0x3FAE]  }
0x2e: {  	s3 =	simm.s32 @!p0 $0x1082;
	s9 =	sld [smem:$0x3FAF]  }
0x2f: {  	lr =	sadd.s32 s0, s3;
	s0 =	sld [smem:$0x3FA6]  }
0x30: {  	s3 =	sld [smem:$0x3FA9]  }
0x31: {  	[smem:$0x3FB2] =	sst s10  }
0x32: {  	s10 =	sld [smem:$0x3FB0];
	_ =	sdelay $0x3  }
0x33: {  	p0 =	seq.s32 s10, $0x1;
	s10 =	sld [smem:$0x3FB2];
	_ =	sdelay $0x3  }
0x34: {  	[smem:$0x3FB2] =	sst s10  }
0x35: {  	s10 =	sld [smem:$0x3FB1];
	_ =	sdelay $0x3  }
0x36: {  	p1 =	seq.s32 s10, $0x1;
	s10 =	sld [smem:$0x3FB2];
	_ =	sdelay $0x3  }
0x37: {  	[smem:$0x3FB2] =	sst s10  }
0x38: {  	s10 =	sld [smem:$0x3FB3]  }
0x39: {  	_ = 	snop;
	(pc) =	sbr.ind lr, $3  }
0x3a: {  	_ = 	snop  }
0x3b: {  	_ = 	snop  }
0x3c: {  	p2 =	seq.s32 s10, $0x1;
	s10 =	sld [smem:$0x3FB2]  }
0x3d: {  	_ =	shalt  }
0x3e: {  	_ =	shalt  }
0x3f: {  	_ =	shalt  }
0x40: {  	_ =	shalt  }
0x41: {  	_ =	shalt  }
0x42: {  	_ =	shalt  }
0x43: {  	_ =	shalt  }
0x44: {  	_ =	shalt  }
0x45: {  	_ =	shalt  }
0x46: {  	_ =	shalt  }
0x47: {  	_ =	shalt  }
0x48: {  	_ =	shalt  }
0x49: {  	_ =	shalt  }
0x4a: {  	_ =	shalt  }
0x4b: {  	_ =	shalt  }
0x4c: {  	_ =	shalt  }
0x4d: {  	_ =	shalt  }
0x4e: {  	_ =	shalt  }
0x4f: {  	_ =	shalt  }
0x50: {  	_ =	shalt  }
0x51: {  	_ =	shalt  }
0x52: {  	_ =	shalt  }
0x53: {  	_ =	shalt  }
0x54: {  	_ =	shalt  }
0x55: {  	_ =	shalt  }
0x56: {  	_ =	shalt  }
0x57: {  	_ =	shalt  }
0x58: {  	_ =	shalt  }
0x59: {  	_ =	shalt  }
0x5a: {  	_ =	shalt  }
0x5b: {  	_ =	shalt  }
0x5c: {  	_ =	shalt  }
0x5d: {  	_ =	shalt  }
0x5e: {  	_ =	shalt  }
0x5f: {  	_ =	shalt  }
0x60: {  	_ =	shalt  }
0x61: {  	_ =	shalt  }
0x62: {  	_ =	shalt  }
0x63: {  	_ =	shalt  }
0x64: {  	_ =	shalt  }
0x65: {  	_ =	shalt  }
0x66: {  	_ =	shalt  }
0x67: {  	_ =	shalt  }
0x68: {  	_ =	shalt  }
0x69: {  	_ =	shalt  }
0x6a: {  	_ =	shalt  }
0x6b: {  	_ =	shalt  }
0x6c: {  	_ =	shalt  }
0x6d: {  	_ =	shalt  }
0x6e: {  	_ =	shalt  }
0x6f: {  	_ =	shalt  }
0x70: {  	_ =	shalt  }
0x71: {  	_ =	shalt  }
0x72: {  	_ =	shalt  }
0x73: {  	_ =	shalt  }
0x74: {  	_ =	shalt  }
0x75: {  	_ =	shalt  }
0x76: {  	_ =	shalt  }
0x77: {  	_ =	shalt  }
0x78: {  	_ =	shalt  }
0x79: {  	_ =	shalt  }
0x7a: {  	_ =	shalt  }
0x7b: {  	_ =	shalt  }
0x7c: {  	_ =	shalt  }
0x7d: {  	_ =	shalt  }
0x7e: {  	_ =	shalt  }
0x7f: {  	_ =	shalt  }
0x80: {  	_ =	shalt  }
0x81: {  	_ =	shalt  }
0x82: {  	_ =	shalt  }
0x83: {  	_ =	shalt  }
0x84: {  	_ =	shalt  }
0x85: {  	_ =	shalt  }
0x86: {  	_ =	shalt  }
0x87: {  	_ =	shalt  }
.Lfunc_end0:
.L_simem_size_0:
called_computation.1_lowered:
.L_overlay_start_0:
0x88: {  	s2 =	sld [smem:$0x3FD9]  }
0x89: {  	s3 =	sld [smem:$0x3FFE];
	_ =	sdelay $0x1  }
0x8a: {  	s1 =	srdreg.scid  }
0x8b: {  	s0 =	sand.u32 $0x1, s1  }
0x8c: {  	s17 =	sshll.u32 s0, $0xA;
	s2 =	sadd.s32 s3, s2  }
0x8d: {  	s2 =	sadd.s32 s2, s17  }
0x8e: {  	[smem:$0x3FBE] =	sst s2  }
0x8f: {  	_ = 	snop  }
0x90: {  	s2 =	sld [smem:$0x3FD0];
	(tm) =	ssettm $0x1  }
0x91: {  	s18 =	sld [smem:$0x3FFB];
	_ =	sdelay $0x3  }
0x92: {  	_ =	strace s18  }
0x93: {  	s3 =	sld [smem:$0x3FFC];
	_ =	sdelay $0x3  }
0x94: {  	_ =	strace s3  }
0x95: {  	s3 =	sld [smem:$0x3FFD];
	_ =	sdelay $0x3  }
0x96: {  	_ =	strace s3  }
0x97: {  	_ =	strace $0x8FFFFFFF  }
0x98: {  	s19 =	sld [smem:$0x3FDB];
	_ =	sdelay $0x1  }
0x99: {  	s4 =	simm.s32 $_scs_section_size  }
0x9a: {  	s5 =	simm.s32 $_size__tile_overlayer_lowered;
	s6 =	simm.s32 $_tile_overlayer_lowered  }
0x9b: {  	s22 =	simm.s32 $0x1BFF;
	s21 =	sshll.u32 s6, $0x1;
	s3 =	sadd.s32 s4, s19  }
0x9c: {  	s7 =	simm.s32 $0x0;
	s20 =	sshll.u32 s5, $0x1;
	s5 =	sadd.s32 s21, s3  }
0x9d: {  	[timem:s7], [sflag:s22] =	dma.local [hbm:s5], s20  }
0x9e: {  	_ =	swait.ge [sflag:s22], s20  }
0x9f: {  	s4 =	ssub.s32 $0x0, s20;
	[sflag:s22] =	ssyncset.done $0x0  }
0xa0: {  	[sflag:s22] =	ssyncadd.s32 s4;
	_ =	sdelay $0x1  }
0xa1: {  	s23 =	simm.s32 $0x1B8B  }
0xa2: {  	_ =	swait.ge [sflag:s23], $0x1  }
0xa3: {  	[sflag:s23] =	ssyncset.done $0x0  }
0xa4: {  	s25 =	simm.s32 $0x1B8E;
	s24 =	sld [smem:$0x3FFE];
	[sflag:s23] =	ssyncadd.s32 $0xFFFFFFFF  }
0xa5: {  	s26 =	simm.s32 $execute0_lowered;
	[smem:$0x3FD2] =	sst s25  }
0xa6: {  	s5 =	sshll.u32 s26, $0x1;
	_ =	strace $0x80000049;
	[dreg:$0x1] =	wrdreg $0xFFFFFFFF  }
0xa7: {  	s28 =	simm.s32 $_size_execute0_lowered;
	s3 =	sadd.s32 s3, s5;
	[dreg:$0x0] =	wrdreg $0x0  }
0xa8: {  	s5 =	sshll.u32 s28, $0x1;
	[dreg:$0x2] =	wrdreg s3  }
0xa9: {  	[dreg:$0x3] =	wrdreg s5  }
0xaa: {  	[dreg:$0x4] =	wrdreg $0xC0  }
0xab: {  	_ =	task [dreg:s7], $0x5FFFF  }
0xac: {  	[dreg:$0x1] =	wrdreg $0xFFFFFFFF  }
0xad: {  	[dreg:$0x0] =	wrdreg $0x60  }
0xae: {  	[dreg:$0x2] =	wrdreg s24  }
0xaf: {  	[dreg:$0x3] =	wrdreg s2  }
0xb0: {  	[dreg:$0x4] =	wrdreg $0x9  }
0xb1: {  	_ =	task.clear_ibuf [dreg:s7], $0x5FFFF;
	_ =	strace $0x90000049  }
0xb2: {  	s29 =	simm.s32 $0x9;
	_ =	strace $0x8000004B  }
0xb3: {  	_ =	swait.ge [sflag:s29], $0x1  }
0xb4: {  	[sflag:s29] =	ssyncadd.s32 $0xFFFFFFFF  }
0xb5: {  	_ =	strace $0x9000004B  }
0xb6: {  	_ =	sfence  }
0xb7: {  	s30 =	sld [smem:$0x0];
	_ =	sdelay $0x2  }
0xb8: {  	s31 =	sshll.u32 s1, $0xD;
	s1 =	sshrl.u32 s1, $0x2  }
0xb9: {  	s3 =	sand.u32 $0x4000, s31;
	s1 =	sadd.s32 s1, s30  }
0xba: {  	s0 =	sor.u32 s3, s0;
	s1 =	sshll.u32 s1, $0x11  }
0xbb: {  	s0 =	sor.u32 s1, s0  }
0xbc: {  	s0 =	sadd.s32 $0x8F2B, s0  }
0xbd: {  	[sflag:s0] =	ssyncadd.remote.s32 $0x1  }
0xbe: {  	_ =	sfence.sel $0xFFFF  }
0xbf: {  	[dreg:$0x0] =	wrdreg $0xFFFFFFFF;
	(pc) =	sbr.abs _section_cstart, $3  }
0xc0: {  	[dreg:$0x1] =	wrdreg $0xFFFFFFFF  }
0xc1: {  	_ =	task.clear_ibuf [dreg:s7], $0x2FFFF;
	_ =	strace $0x9FFFFFFF  }
0xc2: {  	(tm) =	ssettm $0x7FFFFFFF  }
0xc3: {  	_ =	shalt  }
tec
execute0_lowered:
.L_overlay_start_1:
0x0: {  	(tag) =	ssettag $0x1  }
0x1: {  	s1 =	srdreg.scid  }
0x2: {  	s0 =	stileid.u32;
	s3 =	rddreg [dreg:$0x0]  }
0x3: {  	s5 =	rddreg [dreg:$0x1];
	s4 =	sand.u32 $0x1, s1;
	s31 =	sshll.u32 s0, $0x1  }
0x4: {  	s2 =	simm.s32 $0x0;
	s9 =	simm.s32 $0x4F00;
	s6 =	sor.u32 s4, s31  }
0x5: {  	s1 =	rddreg [dreg:$0x2];
	s4 =	ssub.s32 $0x2, s4;
	s6 =	smul.u32 $0x4E2, s6  }
0x6: {  	s10 =	simm.s32 $0x0;
	[smem:$0x7FF] =	sst s2;
	s8 =	sshrl.u32 s4, $0x1  }
0x7: {  	_ =	strace $0x8000004A;
	s8 =	ssub.s32 s4, s8;
	s7 =	sadd.s32 s6, s3  }
0x8: {  	s3 =	sadd.s32 $0x17A00, s3;
	s5 =	sadd.s32 s5, s6;
	s6 =	smax.u32 s8, $0x1  }
0x9: {  	s8 =	simm.s32 $0x2780;
	s4 =	sadd.s32 $0x3800, s7;
	s7 =	simm.s32 $0x1  }
.LBB2_1:
0xa: {  	[tilespmem:s2], [sflag:$0x1] =	stream.linear.gather [hbm4b:s3+s2], $0x2780, $0x38;
	[tilespmem:$0x7680] =	vst v63  }
0xb: {  	_ =	swait.ge [sflag:s7], $0x2780  }
0xc: {  	[sflag:s7] =	ssyncset.done $0x0  }
0xd: {  	[sflag:s7] =	ssyncadd.s32 $0xFFFFD880  }
0xe: {  	[tilespmem:s8], [sflag:$0x1] =	stream.linear.gather [hbm4b:s4+s2], $0x2710, $0x38;
	[tilespmem:$0x7680] =	vst v63  }
0xf: {  	_ =	swait.ge [sflag:s7], $0x2710  }
0x10: {  	[sflag:s7] =	ssyncset.done $0x0  }
0x11: {  	s11 =	simm.s32 $0x0;
	[sflag:s7] =	ssyncadd.s32 $0xFFFFD8F0  }
0x12: {  	v0 =	vld [tilespmem:s11+$0x2780];
	_ =	sdelay $0x7  }
0x13: {  	s12 =	simm.s32 $0x10;
	s13 =	simm.s32 $0x80;
	v0 =	vld.idx.msk [tilespmem:v0+s2+$0x0], $0xffff  }
.LBB2_2:
0x14: {  	p0 =	sne.s32 s13, $0x9C00;
	v1 =	vld [tilespmem:s12+$0x2780];
	_ =	sdelay $0x3  }
.Ltmp0:
0x15: {  	(pc) =	sbr.rel @p0 .LBB2_2-.Ltmp0, $2  }
0x16: {  	[tilespmem:s11+$0x4F00] =	vst v0;
	s11 =	smov.u32 s12;
	_ =	sdelay $0x2  }
0x17: {  	s12 =	sshra.s32 s13, $0x2;
	s13 =	sadd.s32 $0x40, s13;
	v0 =	vld.idx.msk [tilespmem:v1+s2+$0x0], $0xffff  }
0x18: {  	v1 =	vld [tilespmem:s12+$0x2780];
	_ =	sdelay $0x6  }
0x19: {  	[tilespmem:s11+$0x4F00] =	vst v0  }
0x1a: {  	v0 =	vld.idx.msk [tilespmem:v1+s2+$0x0], $0xffff;
	_ =	sdelay $0x2  }
0x1b: {  	s10 =	sadd.s32 $0x1, s10  }
0x1c: {  	p0 =	sne.s32 s10, s6  }
.Ltmp1:
0x1d: {  	[tilespmem:s12+$0x4F00] =	vst v0;
	(pc) =	sbr.rel @p0 .LBB2_1-.Ltmp1, $4  }
0x1e: {  	[hbm4b:s5+s2] =	stream.linear.scatter [tilespmem:s9], [sflag:$0x1], $0x2710, $0x38;
	[tilespmem:$0x7680] =	vst v63  }
0x1f: {  	_ =	swait.ge [sflag:s7], $0x2710  }
0x20: {  	[sflag:s7] =	ssyncset.done $0x0  }
0x21: {  	[sflag:s7] =	ssyncadd.s32 $0xFFFFD8F0  }
0x22: {  	_ =	sfence.sel $0x180000  }
0x23: {  	[bflag:$0x0] =	sbarrier.arrive $0xFFFF  }
0x24: {  	p0 =	sne.s32 s0, $0x0;
	_ =	strace $0x9000004A  }
0x25: {  	s0 =	sadd.s32 @!p0 $0x100000, s1;
	[bflag:$0x2] =	sbarrier.arrive $0xFFFF  }
0x26: {  	[sflag:s0] =	ssyncadd.tile.s32 @!p0 $0x1;
	_ =	shalt  }
.Lfunc_end2:
_tile_overlayer_lowered:
.L_overlay_start_2:
0x27: {  	(tag) =	ssettag $0x2  }
0x28: {  	s0 =	rddreg [dreg:$0x0];
	s2 =	stileid.u32  }
0x29: {  	s1 =	rddreg [dreg:$0x1];
	p0 =	sne.s32 s2, $0x0  }
0x2a: {  	s3 =	rddreg [dreg:$0x2];
	[bflag:$0x3] =	sbarrier.arrive $0xFFFF;
	s2 =	simm.s32 @!p0 $0x1C01  }
0x2b: {  	[timem:s3], [sflag:s2] =	dma.local @!p0 [hbm:s0], s1  }
0x2c: {  	s0 =	simm.s32 @!p0 $0x1  }
0x2d: {  	_ =	swait.ge @!p0 [sflag:s0], s1  }
0x2e: {  	s1 =	ssub.s32 @!p0 $0x0, s1;
	[sflag:s0] =	ssyncset.done @!p0 $0x0  }
0x2f: {  	[sflag:s0] =	ssyncadd.s32 @!p0 s1  }
0x30: {  	[bflag:$0x3] =	sbarrier.arrive $0xFFFF  }
0x31: {  	_ =	shalt  }

// kernel: kernel.20.cloned.1.call-start
scs
__scs_entry_jumppad:
0x0: {  	(pc) =	sbr.rel $0x88, $3  }
0x1: {  	(tag) =	ssettag $0x0;
	lr =	simm.s32 $0x1  }
0x2: {  	[smem:$0x3F97] =	sst lr;
	_ =	strace $0xD0000000  }
0x3: {  	_ = 	snop  }
0x4: {  	_ = 	snop  }
0x5: {  	_ = 	snop  }
0x6: {  	_ = 	snop  }
0x7: {  	_ = 	snop  }
__scs_overlays_trampoline_lowered:
0x8: {  	[smem:$0x3FA6] =	sst s0  }
0x9: {  	[smem:$0x3FA7] =	sst s1  }
0xa: {  	[smem:$0x3FA8] =	sst s2  }
0xb: {  	[smem:$0x3FA9] =	sst s3  }
0xc: {  	[smem:$0x3FAA] =	sst s4  }
0xd: {  	[smem:$0x3FAB] =	sst s5  }
0xe: {  	[smem:$0x3FAC] =	sst s6  }
0xf: {  	[smem:$0x3FAD] =	sst s7  }
0x10: {  	[smem:$0x3FAE] =	sst s8  }
0x11: {  	[smem:$0x3FAF] =	sst s9;
	s0 =	simm.s32 @!p0 $0x0  }
0x12: {  	s1 =	sld [smem:$0x3F95];
	s0 =	simm.s32 @p0 $0x1  }
0x13: {  	[smem:$0x3FB0] =	sst s0;
	s0 =	simm.s32 @!p1 $0x0  }
0x14: {  	s2 =	sld [smem:$0x3F94];
	s0 =	simm.s32 @p1 $0x1  }
0x15: {  	[smem:$0x3FB1] =	sst s0;
	s0 =	simm.s32 @!p2 $0x0  }
0x16: {  	s3 =	sld [smem:$0x3FDB];
	s0 =	simm.s32 @p2 $0x1  }
0x17: {  	s4 =	simm.s32 $0x1BF5;
	[smem:$0x3FB3] =	sst s0  }
0x18: {  	s0 =	sld [smem:$0x3F96];
	_ =	swait.ge [sflag:s4], $0x0  }
0x19: {  	s7 =	sld [smem:$0x3F97]  }
0x1a: {  	s8 =	sadd.s32 $0xFFFFE003, lr  }
0x1b: {  	s9 =	sadd.s32 $0xFFFFFEF7, lr;
	s5 =	simm.s32 $0xFFFFFFFF;
	p2 =	slt.u32 s8, $0xFFFFF086  }
0x1c: {  	p1 =	slt.u32 s9, $0xF7A;
	s5 =	simm.s32 @!p2 $0x0  }
0x1d: {  	s5 =	simm.s32 @p1 $0x1;
	p0 =	seq.s32 s7, s2  }
0x1e: {  	s7 =	smul.u32 @!p0 $0xF7A, s2;
	p2 =	seq.s32 @!p0 s5, $0x0  }
0x1f: {  	s9 =	smul.u32 $0xF7A, s1;
	s8 =	simm.s32 @!p0 $0x1BF5;
	p2 =	por !p2, p0  }
0x20: {  	[sflag:s8] =	ssyncset.s32 @!p0 $0xFFFFF086;
	s6 =	sadd.s32 @!p0 s3, s7;
	s7 =	simm.s32 @!p0 $0x108  }
0x21: {  	s3 =	sadd.s32 s3, s9;
	s6 =	sadd.s32 @!p0 $0x88, s6;
	s7 =	simm.s32 @p2 $0x1082  }
0x22: {  	[simem:s7], [sflag:s8] =	dma.local @!p0 [hbm:s6], $0xF7A  }
0x23: {  	s9 =	sor.u32 $0xD0000000, s2;
	s6 =	simm.s32 $0x108;
	_ =	swait.ge @!p0 [sflag:s8], $0x0  }
0x24: {  	s3 =	sadd.s32 $0x88, s3;
	s6 =	simm.s32 @!p1 $0x1082;
	[sflag:s4] =	ssyncset.s32 $0xFFFFF086  }
0x25: {  	[simem:s6], [sflag:s4] =	dma.local [hbm:s3], $0xF7A  }
0x26: {  	[smem:$0x3F97] =	sst s1;
	(tag) =	ssettag s2;
	_ =	strace s9  }
0x27: {  	s1 =	sld [smem:$0x3FA7]  }
0x28: {  	s2 =	sld [smem:$0x3FA8]  }
0x29: {  	s4 =	sld [smem:$0x3FAA]  }
0x2a: {  	p0 =	seq.s32 s5, $0x0;
	s5 =	sld [smem:$0x3FAB]  }
0x2b: {  	s6 =	sld [smem:$0x3FAC]  }
0x2c: {  	s7 =	sld [smem:$0x3FAD]  }
0x2d: {  	s3 =	simm.s32 $0x108;
	s8 =	sld [smem:$0x3FAE]  }
0x2e: {  	s3 =	simm.s32 @!p0 $0x1082;
	s9 =	sld [smem:$0x3FAF]  }
0x2f: {  	lr =	sadd.s32 s0, s3;
	s0 =	sld [smem:$0x3FA6]  }
0x30: {  	s3 =	sld [smem:$0x3FA9]  }
0x31: {  	[smem:$0x3FB2] =	sst s10  }
0x32: {  	s10 =	sld [smem:$0x3FB0];
	_ =	sdelay $0x3  }
0x33: {  	p0 =	seq.s32 s10, $0x1;
	s10 =	sld [smem:$0x3FB2];
	_ =	sdelay $0x3  }
0x34: {  	[smem:$0x3FB2] =	sst s10  }
0x35: {  	s10 =	sld [smem:$0x3FB1];
	_ =	sdelay $0x3  }
0x36: {  	p1 =	seq.s32 s10, $0x1;
	s10 =	sld [smem:$0x3FB2];
	_ =	sdelay $0x3  }
0x37: {  	[smem:$0x3FB2] =	sst s10  }
0x38: {  	s10 =	sld [smem:$0x3FB3]  }
0x39: {  	_ = 	snop;
	(pc) =	sbr.ind lr, $3  }
0x3a: {  	_ = 	snop  }
0x3b: {  	_ = 	snop  }
0x3c: {  	p2 =	seq.s32 s10, $0x1;
	s10 =	sld [smem:$0x3FB2]  }
0x3d: {  	_ =	shalt  }
0x3e: {  	_ =	shalt  }
0x3f: {  	_ =	shalt  }
0x40: {  	_ =	shalt  }
0x41: {  	_ =	shalt  }
0x42: {  	_ =	shalt  }
0x43: {  	_ =	shalt  }
0x44: {  	_ =	shalt  }
0x45: {  	_ =	shalt  }
0x46: {  	_ =	shalt  }
0x47: {  	_ =	shalt  }
0x48: {  	_ =	shalt  }
0x49: {  	_ =	shalt  }
0x4a: {  	_ =	shalt  }
0x4b: {  	_ =	shalt  }
0x4c: {  	_ =	shalt  }
0x4d: {  	_ =	shalt  }
0x4e: {  	_ =	shalt  }
0x4f: {  	_ =	shalt  }
0x50: {  	_ =	shalt  }
0x51: {  	_ =	shalt  }
0x52: {  	_ =	shalt  }
0x53: {  	_ =	shalt  }
0x54: {  	_ =	shalt  }
0x55: {  	_ =	shalt  }
0x56: {  	_ =	shalt  }
0x57: {  	_ =	shalt  }
0x58: {  	_ =	shalt  }
0x59: {  	_ =	shalt  }
0x5a: {  	_ =	shalt  }
0x5b: {  	_ =	shalt  }
0x5c: {  	_ =	shalt  }
0x5d: {  	_ =	shalt  }
0x5e: {  	_ =	shalt  }
0x5f: {  	_ =	shalt  }
0x60: {  	_ =	shalt  }
0x61: {  	_ =	shalt  }
0x62: {  	_ =	shalt  }
0x63: {  	_ =	shalt  }
0x64: {  	_ =	shalt  }
0x65: {  	_ =	shalt  }
0x66: {  	_ =	shalt  }
0x67: {  	_ =	shalt  }
0x68: {  	_ =	shalt  }
0x69: {  	_ =	shalt  }
0x6a: {  	_ =	shalt  }
0x6b: {  	_ =	shalt  }
0x6c: {  	_ =	shalt  }
0x6d: {  	_ =	shalt  }
0x6e: {  	_ =	shalt  }
0x6f: {  	_ =	shalt  }
0x70: {  	_ =	shalt  }
0x71: {  	_ =	shalt  }
0x72: {  	_ =	shalt  }
0x73: {  	_ =	shalt  }
0x74: {  	_ =	shalt  }
0x75: {  	_ =	shalt  }
0x76: {  	_ =	shalt  }
0x77: {  	_ =	shalt  }
0x78: {  	_ =	shalt  }
0x79: {  	_ =	shalt  }
0x7a: {  	_ =	shalt  }
0x7b: {  	_ =	shalt  }
0x7c: {  	_ =	shalt  }
0x7d: {  	_ =	shalt  }
0x7e: {  	_ =	shalt  }
0x7f: {  	_ =	shalt  }
0x80: {  	_ =	shalt  }
0x81: {  	_ =	shalt  }
0x82: {  	_ =	shalt  }
0x83: {  	_ =	shalt  }
0x84: {  	_ =	shalt  }
0x85: {  	_ =	shalt  }
0x86: {  	_ =	shalt  }
0x87: {  	_ =	shalt  }
.Lfunc_end0:
.L_simem_size_0:
called_computation.2_lowered:
.L_overlay_start_0:
0x88: {  	s2 =	sld [smem:$0x3FD9]  }
0x89: {  	s3 =	sld [smem:$0x3FFE];
	_ =	sdelay $0x1  }
0x8a: {  	s1 =	srdreg.scid  }
0x8b: {  	s0 =	sand.u32 $0x1, s1  }
0x8c: {  	s16 =	sshll.u32 s0, $0xA;
	s2 =	sadd.s32 s3, s2  }
0x8d: {  	s2 =	sadd.s32 s2, s16  }
0x8e: {  	[smem:$0x3FBE] =	sst s2  }
0x8f: {  	_ = 	snop  }
0x90: {  	(tm) =	ssettm $0x1  }
0x91: {  	s17 =	sld [smem:$0x3FFB];
	_ =	sdelay $0x3  }
0x92: {  	_ =	strace s17  }
0x93: {  	s2 =	sld [smem:$0x3FFC];
	_ =	sdelay $0x3  }
0x94: {  	_ =	strace s2  }
0x95: {  	s2 =	sld [smem:$0x3FFD];
	_ =	sdelay $0x3  }
0x96: {  	_ =	strace s2  }
0x97: {  	_ =	strace $0x8FFFFFFF  }
0x98: {  	s18 =	sld [smem:$0x3FDB];
	_ =	sdelay $0x1  }
0x99: {  	s19 =	simm.s32 $_scs_section_size  }
0x9a: {  	s4 =	simm.s32 $_size__tile_overlayer_lowered;
	s5 =	simm.s32 $_tile_overlayer_lowered  }
0x9b: {  	s22 =	simm.s32 $0x1BFF;
	s21 =	sshll.u32 s5, $0x1;
	s2 =	sadd.s32 s19, s18  }
0x9c: {  	s6 =	simm.s32 $0x0;
	s20 =	sshll.u32 s4, $0x1;
	s4 =	sadd.s32 s21, s2  }
0x9d: {  	[timem:s6], [sflag:s22] =	dma.local [hbm:s4], s20  }
0x9e: {  	_ =	swait.ge [sflag:s22], s20  }
0x9f: {  	s3 =	ssub.s32 $0x0, s20;
	[sflag:s22] =	ssyncset.done $0x0  }
0xa0: {  	[sflag:s22] =	ssyncadd.s32 s3;
	_ =	sdelay $0x1  }
0xa1: {  	s23 =	simm.s32 $0x1B8B  }
0xa2: {  	_ =	swait.ge [sflag:s23], $0x1  }
0xa3: {  	[sflag:s23] =	ssyncset.done $0x0  }
0xa4: {  	s25 =	simm.s32 $0x1B8E;
	s24 =	sld [smem:$0x3FFE];
	[sflag:s23] =	ssyncadd.s32 $0xFFFFFFFF  }
0xa5: {  	s26 =	simm.s32 $execute0_lowered;
	[smem:$0x3FD2] =	sst s25  }
0xa6: {  	s4 =	sshll.u32 s26, $0x1;
	_ =	strace $0x8000004C;
	[dreg:$0x1] =	wrdreg $0xFFFFFFFF  }
0xa7: {  	s28 =	simm.s32 $_size_execute0_lowered;
	s2 =	sadd.s32 s2, s4;
	[dreg:$0x0] =	wrdreg $0x0  }
0xa8: {  	s4 =	sshll.u32 s28, $0x1;
	[dreg:$0x2] =	wrdreg s2  }
0xa9: {  	[dreg:$0x3] =	wrdreg s4  }
0xaa: {  	[dreg:$0x4] =	wrdreg $0xC0  }
0xab: {  	_ =	task [dreg:s6], $0x5FFFF  }
0xac: {  	[dreg:$0x1] =	wrdreg $0xFFFFFFFF  }
0xad: {  	[dreg:$0x0] =	wrdreg $0x60  }
0xae: {  	[dreg:$0x2] =	wrdreg s24  }
0xaf: {  	[dreg:$0x3] =	wrdreg $0x2C100  }
0xb0: {  	[dreg:$0x4] =	wrdreg $0x9  }
0xb1: {  	_ =	task.clear_ibuf [dreg:s6], $0x5FFFF;
	_ =	strace $0x9000004C  }
0xb2: {  	s29 =	simm.s32 $0x9;
	_ =	strace $0x8000004E  }
0xb3: {  	_ =	swait.ge [sflag:s29], $0x1  }
0xb4: {  	[sflag:s29] =	ssyncadd.s32 $0xFFFFFFFF  }
0xb5: {  	_ =	strace $0x9000004E  }
0xb6: {  	_ =	sfence  }
0xb7: {  	s30 =	sld [smem:$0x0];
	_ =	sdelay $0x2  }
0xb8: {  	s31 =	sshll.u32 s1, $0xD;
	s1 =	sshrl.u32 s1, $0x2  }
0xb9: {  	s3 =	sand.u32 $0x4000, s31;
	s1 =	sadd.s32 s1, s30  }
0xba: {  	s0 =	sor.u32 s3, s0;
	s1 =	sshll.u32 s1, $0x11  }
0xbb: {  	s0 =	sor.u32 s1, s0  }
0xbc: {  	s0 =	sadd.s32 $0x8F2B, s0  }
0xbd: {  	[sflag:s0] =	ssyncadd.remote.s32 $0x1  }
0xbe: {  	_ =	sfence.sel $0xFFFF  }
0xbf: {  	[dreg:$0x0] =	wrdreg $0xFFFFFFFF;
	(pc) =	sbr.abs _section_cstart, $3  }
0xc0: {  	[dreg:$0x1] =	wrdreg $0xFFFFFFFF  }
0xc1: {  	_ =	task.clear_ibuf [dreg:s6], $0x2FFFF;
	_ =	strace $0x9FFFFFFF  }
0xc2: {  	(tm) =	ssettm $0x7FFFFFFF  }
0xc3: {  	_ =	shalt  }
tec
execute0_lowered:
.L_overlay_start_1:
0x0: {  	(tag) =	ssettag $0x1  }
0x1: {  	s0 =	stileid.u32;
	s5 =	rddreg [dreg:$0x0]  }
0x2: {  	s1 =	srdreg.scid;
	s2 =	rddreg [dreg:$0x1]  }
0x3: {  	s3 =	simm.s32 $0x0;
	s13 =	simm.s32 $0x50;
	s4 =	smul.u32 $0x9C40, s0  }
0x4: {  	s14 =	simm.s32 $0x0;
	s6 =	sand.u32 $0x1, s1;
	s8 =	smul.u32 $0x500, s0  }
0x5: {  	s25 =	sshll.u32 s0, $0x1;
	s1 =	rddreg [dreg:$0x2];
	s11 =	smul.u32 $0xA000, s0  }
0x6: {  	[smem:$0x7FF] =	sst s3;
	s31 =	sshll.u32 s0, $0x6;
	s9 =	smul.u32 $0x5000, s6  }
0x7: {  	s7 =	sor.u32 s6, s25;
	_ =	strace $0x8000004D;
	s12 =	smul.u32 $0x4E20, s6  }
0x8: {  	s26 =	ssub.s32 $0x2, s6;
	s7 =	smul.u32 $0x2710, s7;
	s10 =	sadd.s32 s4, s5  }
0x9: {  	s4 =	sadd.s32 $0xB3E00, s5;
	s28 =	sshrl.u32 s26, $0x1;
	s29 =	sshrl.u32 s11, $0x2  }
0xa: {  	s8 =	sadd.s32 s8, s9;
	s9 =	ssub.s32 s26, s28;
	s11 =	sadd.s32 s29, s2  }
0xb: {  	s30 =	sadd.s32 s12, s10;
	s10 =	sor.u32 $0x1C01, s31;
	s12 =	simm.s32 $0x2710  }
0xc: {  	s7 =	sshrl.u32 s7, $0x3;
	s8 =	sadd.s32 s8, s5;
	s11 =	sshrl.u32 s11, $0x3  }
0xd: {  	s7 =	sadd.s32 s7, s5;
	s6 =	sadd.s32 $0xB4400, s8;
	s8 =	sadd.s32 $0x17A00, s30  }
0xe: {  	s5 =	sadd.s32 $0xD600, s7;
	s7 =	smax.u32 s9, $0x1;
	s9 =	simm.s32 $0x1  }
.LBB2_1:
0xf: {  	[tilespmem:s3], [sflag:$0x1] =	stream.linear.gather [hbm4b:s5+s3], $0x2710, $0x38;
	[tilespmem:$0x5410] =	vst v63  }
0x10: {  	_ =	swait.ge [sflag:s9], $0x2710  }
0x11: {  	[sflag:s9] =	ssyncset.done $0x0  }
0x12: {  	[sflag:s9] =	ssyncadd.s32 $0xFFFFD8F0  }
0x13: {  	[spmem:s11], [sflag:s10] =	dma.local [hbm:s4], $0x500  }
0x14: {  	_ =	swait.ge [sflag:s9], $0x500  }
0x15: {  	[sflag:s9] =	ssyncset.done $0x0  }
0x16: {  	[sflag:s9] =	ssyncadd.s32 $0xFFFFFB00  }
0x17: {  	s15 =	sadd.s32 $0x0, s8;
	[bflag:$0x0] =	sbarrier.arrive $0xFFFF  }
0x18: {  	[tilespmem:s12], [sflag:$0x1] =	stream.linear.gather [hbm4b:s15+s3], $0x500, $0x38;
	[tilespmem:$0x5410] =	vst v63  }
0x19: {  	_ =	swait.ge [sflag:s9], $0x500  }
0x1a: {  	[sflag:s9] =	ssyncset.done $0x0  }
0x1b: {  	[sflag:s9] =	ssyncadd.s32 $0xFFFFFB00  }
0x1c: {  	[spmem:s2] =	stream.indirect.scatter.add.f32 [tilespmem:s12], [sflag:$0x1], $0x10, s3, s13, $0xb8;
	[tilespmem:$0x5410] =	vst v63  }
0x1d: {  	s16 =	simm.s32 $0xA0;
	_ =	swait.ge [sflag:s9], $0x500  }
0x1e: {  	s17 =	simm.s32 $0x140;
	s15 =	simm.s32 $0x50;
	[sflag:s9] =	ssyncset.done $0x0  }
.LBB2_2:
0x1f: {  	s18 =	sadd.s32 s16, s8  }
0x20: {  	[sflag:s9] =	ssyncadd.s32 $0xFFFFFB00;
	s16 =	smov.u32 s17;
	s19 =	sadd.s32 $0xA0, s17  }
0x21: {  	[tilespmem:s12], [sflag:$0x1] =	stream.linear.gather [hbm4b:s18+s3], $0x500, $0x38;
	[tilespmem:$0x5410] =	vst v63  }
0x22: {  	p0 =	sne.s32 s17, $0x4D80;
	_ =	swait.ge [sflag:s9], $0x500  }
.Ltmp0:
0x23: {  	[sflag:s9] =	ssyncset.done $0x0;
	(pc) =	sbr.rel @p0 .LBB2_2-.Ltmp0, $4  }
0x24: {  	[sflag:s9] =	ssyncadd.s32 $0xFFFFFB00  }
0x25: {  	[spmem:s2] =	stream.indirect.scatter.add.f32 [tilespmem:s12], [sflag:$0x1], $0x10, s15, s13, $0xb8;
	[tilespmem:$0x5410] =	vst v63  }
0x26: {  	_ =	swait.ge [sflag:s9], $0x500  }
0x27: {  	s17 =	smov.u32 s19;
	s15 =	sadd.s32 $0x50, s15;
	[sflag:s9] =	ssyncset.done $0x0  }
0x28: {  	s16 =	sadd.s32 s16, s8;
	[sflag:s9] =	ssyncadd.s32 $0xFFFFFB00  }
0x29: {  	[tilespmem:s12], [sflag:$0x1] =	stream.linear.gather [hbm4b:s16+s3], $0x500, $0x38;
	[tilespmem:$0x5410] =	vst v63  }
0x2a: {  	_ =	swait.ge [sflag:s9], $0x500  }
0x2b: {  	[sflag:s9] =	ssyncset.done $0x0  }
0x2c: {  	[sflag:s9] =	ssyncadd.s32 $0xFFFFFB00  }
0x2d: {  	[spmem:s2] =	stream.indirect.scatter.add.f32 [tilespmem:s12], [sflag:$0x1], $0x10, s15, s13, $0xb8;
	[tilespmem:$0x5410] =	vst v63  }
0x2e: {  	_ =	swait.ge [sflag:s9], $0x500  }
0x2f: {  	s14 =	sadd.s32 $0x1, s14;
	[sflag:s9] =	ssyncset.done $0x0  }
0x30: {  	p0 =	sne.s32 s14, s7;
	[sflag:s9] =	ssyncadd.s32 $0xFFFFFB00  }
.Ltmp1:
0x31: {  	[bflag:$0x0] =	sbarrier.arrive $0xFFFF;
	(pc) =	sbr.rel @p0 .LBB2_1-.Ltmp1, $4  }
0x32: {  	[hbm:s6], [sflag:s10] =	dma.local [spmem:s11], $0x500  }
0x33: {  	_ =	swait.ge [sflag:s9], $0x500  }
0x34: {  	[sflag:s9] =	ssyncset.done $0x0  }
0x35: {  	[sflag:s9] =	ssyncadd.s32 $0xFFFFFB00  }
0x36: {  	_ =	sfence.sel $0x180000  }
0x37: {  	[bflag:$0x0] =	sbarrier.arrive $0xFFFF  }
0x38: {  	p0 =	sne.s32 s0, $0x0;
	_ =	strace $0x9000004D  }
0x39: {  	s0 =	sadd.s32 @!p0 $0x100000, s1;
	[bflag:$0x2] =	sbarrier.arrive $0xFFFF  }
0x3a: {  	[sflag:s0] =	ssyncadd.tile.s32 @!p0 $0x1;
	_ =	shalt  }
.Lfunc_end2:
_tile_overlayer_lowered:
.L_overlay_start_2:
0x3b: {  	(tag) =	ssettag $0x2  }
0x3c: {  	s0 =	rddreg [dreg:$0x0];
	s2 =	stileid.u32  }
0x3d: {  	s1 =	rddreg [dreg:$0x1];
	p0 =	sne.s32 s2, $0x0  }
0x3e: {  	s3 =	rddreg [dreg:$0x2];
	[bflag:$0x3] =	sbarrier.arrive $0xFFFF;
	s2 =	simm.s32 @!p0 $0x1C01  }
0x3f: {  	[timem:s3], [sflag:s2] =	dma.local @!p0 [hbm:s0], s1  }
0x40: {  	s0 =	simm.s32 @!p0 $0x1  }
0x41: {  	_ =	swait.ge @!p0 [sflag:s0], s1  }
0x42: {  	s1 =	ssub.s32 @!p0 $0x0, s1;
	[sflag:s0] =	ssyncset.done @!p0 $0x0  }
0x43: {  	[sflag:s0] =	ssyncadd.s32 @!p0 s1  }
0x44: {  	[bflag:$0x3] =	sbarrier.arrive $0xFFFF  }
0x45: {  	_ =	shalt  }

// kernel: kernel.23.cloned.1.call-start
scs
__scs_entry_jumppad:
0x0: {  	(pc) =	sbr.rel $0x88, $3  }
0x1: {  	(tag) =	ssettag $0x0;
	lr =	simm.s32 $0x1  }
0x2: {  	[smem:$0x3F97] =	sst lr;
	_ =	strace $0xD0000000  }
0x3: {  	_ = 	snop  }
0x4: {  	_ = 	snop  }
0x5: {  	_ = 	snop  }
0x6: {  	_ = 	snop  }
0x7: {  	_ = 	snop  }
__scs_overlays_trampoline_lowered:
0x8: {  	[smem:$0x3FA6] =	sst s0  }
0x9: {  	[smem:$0x3FA7] =	sst s1  }
0xa: {  	[smem:$0x3FA8] =	sst s2  }
0xb: {  	[smem:$0x3FA9] =	sst s3  }
0xc: {  	[smem:$0x3FAA] =	sst s4  }
0xd: {  	[smem:$0x3FAB] =	sst s5  }
0xe: {  	[smem:$0x3FAC] =	sst s6  }
0xf: {  	[smem:$0x3FAD] =	sst s7  }
0x10: {  	[smem:$0x3FAE] =	sst s8  }
0x11: {  	[smem:$0x3FAF] =	sst s9;
	s0 =	simm.s32 @!p0 $0x0  }
0x12: {  	s1 =	sld [smem:$0x3F95];
	s0 =	simm.s32 @p0 $0x1  }
0x13: {  	[smem:$0x3FB0] =	sst s0;
	s0 =	simm.s32 @!p1 $0x0  }
0x14: {  	s2 =	sld [smem:$0x3F94];
	s0 =	simm.s32 @p1 $0x1  }
0x15: {  	[smem:$0x3FB1] =	sst s0;
	s0 =	simm.s32 @!p2 $0x0  }
0x16: {  	s3 =	sld [smem:$0x3FDB];
	s0 =	simm.s32 @p2 $0x1  }
0x17: {  	s4 =	simm.s32 $0x1BF5;
	[smem:$0x3FB3] =	sst s0  }
0x18: {  	s0 =	sld [smem:$0x3F96];
	_ =	swait.ge [sflag:s4], $0x0  }
0x19: {  	s7 =	sld [smem:$0x3F97]  }
0x1a: {  	s8 =	sadd.s32 $0xFFFFE003, lr  }
0x1b: {  	s9 =	sadd.s32 $0xFFFFFEF7, lr;
	s5 =	simm.s32 $0xFFFFFFFF;
	p2 =	slt.u32 s8, $0xFFFFF086  }
0x1c: {  	p1 =	slt.u32 s9, $0xF7A;
	s5 =	simm.s32 @!p2 $0x0  }
0x1d: {  	s5 =	simm.s32 @p1 $0x1;
	p0 =	seq.s32 s7, s2  }
0x1e: {  	s7 =	smul.u32 @!p0 $0xF7A, s2;
	p2 =	seq.s32 @!p0 s5, $0x0  }
0x1f: {  	s9 =	smul.u32 $0xF7A, s1;
	s8 =	simm.s32 @!p0 $0x1BF5;
	p2 =	por !p2, p0  }
0x20: {  	[sflag:s8] =	ssyncset.s32 @!p0 $0xFFFFF086;
	s6 =	sadd.s32 @!p0 s3, s7;
	s7 =	simm.s32 @!p0 $0x108  }
0x21: {  	s3 =	sadd.s32 s3, s9;
	s6 =	sadd.s32 @!p0 $0x88, s6;
	s7 =	simm.s32 @p2 $0x1082  }
0x22: {  	[simem:s7], [sflag:s8] =	dma.local @!p0 [hbm:s6], $0xF7A  }
0x23: {  	s9 =	sor.u32 $0xD0000000, s2;
	s6 =	simm.s32 $0x108;
	_ =	swait.ge @!p0 [sflag:s8], $0x0  }
0x24: {  	s3 =	sadd.s32 $0x88, s3;
	s6 =	simm.s32 @!p1 $0x1082;
	[sflag:s4] =	ssyncset.s32 $0xFFFFF086  }
0x25: {  	[simem:s6], [sflag:s4] =	dma.local [hbm:s3], $0xF7A  }
0x26: {  	[smem:$0x3F97] =	sst s1;
	(tag) =	ssettag s2;
	_ =	strace s9  }
0x27: {  	s1 =	sld [smem:$0x3FA7]  }
0x28: {  	s2 =	sld [smem:$0x3FA8]  }
0x29: {  	s4 =	sld [smem:$0x3FAA]  }
0x2a: {  	p0 =	seq.s32 s5, $0x0;
	s5 =	sld [smem:$0x3FAB]  }
0x2b: {  	s6 =	sld [smem:$0x3FAC]  }
0x2c: {  	s7 =	sld [smem:$0x3FAD]  }
0x2d: {  	s3 =	simm.s32 $0x108;
	s8 =	sld [smem:$0x3FAE]  }
0x2e: {  	s3 =	simm.s32 @!p0 $0x1082;
	s9 =	sld [smem:$0x3FAF]  }
0x2f: {  	lr =	sadd.s32 s0, s3;
	s0 =	sld [smem:$0x3FA6]  }
0x30: {  	s3 =	sld [smem:$0x3FA9]  }
0x31: {  	[smem:$0x3FB2] =	sst s10  }
0x32: {  	s10 =	sld [smem:$0x3FB0];
	_ =	sdelay $0x3  }
0x33: {  	p0 =	seq.s32 s10, $0x1;
	s10 =	sld [smem:$0x3FB2];
	_ =	sdelay $0x3  }
0x34: {  	[smem:$0x3FB2] =	sst s10  }
0x35: {  	s10 =	sld [smem:$0x3FB1];
	_ =	sdelay $0x3  }
0x36: {  	p1 =	seq.s32 s10, $0x1;
	s10 =	sld [smem:$0x3FB2];
	_ =	sdelay $0x3  }
0x37: {  	[smem:$0x3FB2] =	sst s10  }
0x38: {  	s10 =	sld [smem:$0x3FB3]  }
0x39: {  	_ = 	snop;
	(pc) =	sbr.ind lr, $3  }
0x3a: {  	_ = 	snop  }
0x3b: {  	_ = 	snop  }
0x3c: {  	p2 =	seq.s32 s10, $0x1;
	s10 =	sld [smem:$0x3FB2]  }
0x3d: {  	_ =	shalt  }
0x3e: {  	_ =	shalt  }
0x3f: {  	_ =	shalt  }
0x40: {  	_ =	shalt  }
0x41: {  	_ =	shalt  }
0x42: {  	_ =	shalt  }
0x43: {  	_ =	shalt  }
0x44: {  	_ =	shalt  }
0x45: {  	_ =	shalt  }
0x46: {  	_ =	shalt  }
0x47: {  	_ =	shalt  }
0x48: {  	_ =	shalt  }
0x49: {  	_ =	shalt  }
0x4a: {  	_ =	shalt  }
0x4b: {  	_ =	shalt  }
0x4c: {  	_ =	shalt  }
0x4d: {  	_ =	shalt  }
0x4e: {  	_ =	shalt  }
0x4f: {  	_ =	shalt  }
0x50: {  	_ =	shalt  }
0x51: {  	_ =	shalt  }
0x52: {  	_ =	shalt  }
0x53: {  	_ =	shalt  }
0x54: {  	_ =	shalt  }
0x55: {  	_ =	shalt  }
0x56: {  	_ =	shalt  }
0x57: {  	_ =	shalt  }
0x58: {  	_ =	shalt  }
0x59: {  	_ =	shalt  }
0x5a: {  	_ =	shalt  }
0x5b: {  	_ =	shalt  }
0x5c: {  	_ =	shalt  }
0x5d: {  	_ =	shalt  }
0x5e: {  	_ =	shalt  }
0x5f: {  	_ =	shalt  }
0x60: {  	_ =	shalt  }
0x61: {  	_ =	shalt  }
0x62: {  	_ =	shalt  }
0x63: {  	_ =	shalt  }
0x64: {  	_ =	shalt  }
0x65: {  	_ =	shalt  }
0x66: {  	_ =	shalt  }
0x67: {  	_ =	shalt  }
0x68: {  	_ =	shalt  }
0x69: {  	_ =	shalt  }
0x6a: {  	_ =	shalt  }
0x6b: {  	_ =	shalt  }
0x6c: {  	_ =	shalt  }
0x6d: {  	_ =	shalt  }
0x6e: {  	_ =	shalt  }
0x6f: {  	_ =	shalt  }
0x70: {  	_ =	shalt  }
0x71: {  	_ =	shalt  }
0x72: {  	_ =	shalt  }
0x73: {  	_ =	shalt  }
0x74: {  	_ =	shalt  }
0x75: {  	_ =	shalt  }
0x76: {  	_ =	shalt  }
0x77: {  	_ =	shalt  }
0x78: {  	_ =	shalt  }
0x79: {  	_ =	shalt  }
0x7a: {  	_ =	shalt  }
0x7b: {  	_ =	shalt  }
0x7c: {  	_ =	shalt  }
0x7d: {  	_ =	shalt  }
0x7e: {  	_ =	shalt  }
0x7f: {  	_ =	shalt  }
0x80: {  	_ =	shalt  }
0x81: {  	_ =	shalt  }
0x82: {  	_ =	shalt  }
0x83: {  	_ =	shalt  }
0x84: {  	_ =	shalt  }
0x85: {  	_ =	shalt  }
0x86: {  	_ =	shalt  }
0x87: {  	_ =	shalt  }
.Lfunc_end0:
.L_simem_size_0:
called_computation.3_lowered:
.L_overlay_start_0:
0x88: {  	s2 =	sld [smem:$0x3FD9]  }
0x89: {  	s3 =	sld [smem:$0x3FFE];
	_ =	sdelay $0x1  }
0x8a: {  	s1 =	srdreg.scid  }
0x8b: {  	s0 =	sand.u32 $0x1, s1  }
0x8c: {  	s17 =	sshll.u32 s0, $0xA;
	s2 =	sadd.s32 s3, s2  }
0x8d: {  	s2 =	sadd.s32 s2, s17  }
0x8e: {  	[smem:$0x3FBE] =	sst s2  }
0x8f: {  	_ = 	snop  }
0x90: {  	s18 =	sld [smem:$0x3FD0];
	(tm) =	ssettm $0x1  }
0x91: {  	s19 =	sld [smem:$0x3FFB];
	_ =	sdelay $0x3  }
0x92: {  	_ =	strace s19  }
0x93: {  	s2 =	sld [smem:$0x3FFC];
	_ =	sdelay $0x3  }
0x94: {  	_ =	strace s2  }
0x95: {  	s2 =	sld [smem:$0x3FFD];
	_ =	sdelay $0x3  }
0x96: {  	_ =	strace s2  }
0x97: {  	_ =	strace $0x8FFFFFFF  }
0x98: {  	s20 =	sld [smem:$0x3FDB];
	_ =	sdelay $0x1  }
0x99: {  	s4 =	simm.s32 $_scs_section_size  }
0x9a: {  	s5 =	simm.s32 $_size__tile_overlayer_lowered;
	s6 =	simm.s32 $_tile_overlayer_lowered  }
0x9b: {  	s7 =	simm.s32 $0x1BFF;
	s21 =	sshll.u32 s6, $0x1;
	s4 =	sadd.s32 s4, s20  }
0x9c: {  	s22 =	simm.s32 $0x0;
	s5 =	sshll.u32 s5, $0x1;
	s6 =	sadd.s32 s21, s4  }
0x9d: {  	[timem:s22], [sflag:s7] =	dma.local [hbm:s6], s5  }
0x9e: {  	_ =	swait.ge [sflag:s7], s5  }
0x9f: {  	s5 =	ssub.s32 $0x0, s5;
	[sflag:s7] =	ssyncset.done $0x0  }
0xa0: {  	[sflag:s7] =	ssyncadd.s32 s5;
	_ =	sdelay $0x1  }
0xa1: {  	s23 =	simm.s32 $0x1B8B  }
0xa2: {  	_ =	swait.ge [sflag:s23], $0x1  }
0xa3: {  	[sflag:s23] =	ssyncset.done $0x0  }
0xa4: {  	[sflag:s23] =	ssyncadd.s32 $0xFFFFFFFF  }
0xa5: {  	s5 =	sld [smem:$0x0]  }
0xa6: {  	s6 =	sand.u32 $0xFFFFFFFE, s1  }
0xa7: {  	p0 =	sne.s32 s1, s6  }
0xa8: {  	s6 =	sshll.u32 @p0 s6, $0xE  }
0xa9: {  	s6 =	sadd.s32 @p0 $0x11B8D, s6;
	s7 =	sshll.u32 @p0 s5, $0x11  }
0xaa: {  	s6 =	sor.u32 @p0 s7, s6  }
0xab: {  	[sflag:s6] =	ssyncadd.remote.s32 @p0 $0x1;
	_ =	sdelay $0x1  }
0xac: {  	s6 =	simm.s32 @p0 $0x1B8D  }
0xad: {  	_ =	swait.eq @p0 [sflag:s6], $0x1  }
0xae: {  	[sflag:s6] =	ssyncadd.s32 @p0 $0xFFFFFFFF  }
0xaf: {  	s7 =	sshll.u32 @!p0 s1, $0xE  }
0xb0: {  	s7 =	sor.u32 @!p0 $0x4000, s7;
	s6 =	simm.s32 @!p0 $0x1B8D  }
0xb1: {  	s5 =	sshll.u32 @!p0 s5, $0x11;
	s7 =	sadd.s32 @!p0 $0x11B8D, s7;
	_ =	swait.eq @!p0 [sflag:s6], $0x1  }
0xb2: {  	s5 =	sor.u32 @!p0 s5, s7;
	[sflag:s6] =	ssyncadd.s32 @!p0 $0xFFFFFFFF  }
0xb3: {  	s25 =	simm.s32 $0x1B8E;
	s24 =	sld [smem:$0x3FFE];
	[sflag:s5] =	ssyncadd.remote.s32 @!p0 $0x1  }
0xb4: {  	s26 =	simm.s32 $execute0_lowered;
	[smem:$0x3FD2] =	sst s25  }
0xb5: {  	s6 =	sshll.u32 s26, $0x1;
	_ =	strace $0x8000004F;
	[dreg:$0x1] =	wrdreg $0xFFFFFFFF  }
0xb6: {  	s28 =	simm.s32 $_size_execute0_lowered;
	s4 =	sadd.s32 s4, s6;
	[dreg:$0x0] =	wrdreg $0x0  }
0xb7: {  	s6 =	sshll.u32 s28, $0x1;
	[dreg:$0x2] =	wrdreg s4  }
0xb8: {  	[dreg:$0x3] =	wrdreg s6  }
0xb9: {  	[dreg:$0x4] =	wrdreg $0xC0  }
0xba: {  	_ =	task [dreg:s22], $0x5FFFF  }
0xbb: {  	[dreg:$0x1] =	wrdreg $0xFFFFFFFF  }
0xbc: {  	[dreg:$0x0] =	wrdreg $0x60  }
0xbd: {  	[dreg:$0x2] =	wrdreg s18  }
0xbe: {  	[dreg:$0x3] =	wrdreg s24  }
0xbf: {  	[dreg:$0x4] =	wrdreg $0xA8000  }
0xc0: {  	[dreg:$0x5] =	wrdreg $0xA  }
0xc1: {  	_ =	task.clear_ibuf [dreg:s22], $0x6FFFF;
	_ =	strace $0x9000004F  }
0xc2: {  	s29 =	simm.s32 $0xA;
	_ =	strace $0x80000051  }
0xc3: {  	_ =	swait.ge [sflag:s29], $0x1  }
0xc4: {  	[sflag:s29] =	ssyncadd.s32 $0xFFFFFFFF  }
0xc5: {  	_ =	strace $0x90000051  }
0xc6: {  	_ =	sfence  }
0xc7: {  	s30 =	sld [smem:$0x0];
	_ =	sdelay $0x2  }
0xc8: {  	s31 =	sshll.u32 s1, $0xD;
	s1 =	sshrl.u32 s1, $0x2  }
0xc9: {  	s4 =	sand.u32 $0x4000, s31;
	s1 =	sadd.s32 s1, s30  }
0xca: {  	s0 =	sor.u32 s4, s0;
	s1 =	sshll.u32 s1, $0x11  }
0xcb: {  	s0 =	sor.u32 s1, s0  }
0xcc: {  	s0 =	sadd.s32 $0x8F2B, s0  }
0xcd: {  	[sflag:s0] =	ssyncadd.remote.s32 $0x1  }
0xce: {  	_ =	sfence.sel $0xFFFF  }
0xcf: {  	[dreg:$0x0] =	wrdreg $0xFFFFFFFF;
	(pc) =	sbr.abs _section_cstart, $3  }
0xd0: {  	[dreg:$0x1] =	wrdreg $0xFFFFFFFF  }
0xd1: {  	_ =	task.clear_ibuf [dreg:s22], $0x2FFFF;
	_ =	strace $0x9FFFFFFF  }
0xd2: {  	(tm) =	ssettm $0x7FFFFFFF  }
0xd3: {  	_ =	shalt  }
tec
execute0_lowered:
.L_overlay_start_1:
0x0: {  	(tag) =	ssettag $0x1  }
0x1: {  	s1 =	rddreg [dreg:$0x0]  }
0x2: {  	s6 =	rddreg [dreg:$0x1]  }
0x3: {  	s3 =	rddreg [dreg:$0x2]  }
0x4: {  	s0 =	rddreg [dreg:$0x3];
	s5 =	srdreg.scid  }
0x5: {  	s4 =	simm.s32 $0x0;
	s2 =	stileid.u32;
	s14 =	simm.s32 $0x50  }
0x6: {  	s15 =	simm.s32 $0x8000;
	s16 =	simm.s32 $0x1;
	s17 =	simm.s32 $0x0  }
0x7: {  	s5 =	sand.u32 $0x1, s5;
	s7 =	sshll.u32 s2, $0xC;
	s9 =	smul.u32 $0x2800, s2  }
0x8: {  	[smem:$0x7FF] =	sst s4;
	s11 =	smul.u32 $0x50000, s2;
	s12 =	sshll.u32 s2, $0x6  }
0x9: {  	s8 =	sshll.u32 s5, $0xB;
	s29 =	smul.u32 $0x28000, s5;
	_ =	strace $0x80000050  }
0xa: {  	s10 =	ssub.s32 $0x2, s5;
	s5 =	sadd.s32 $0xDE400, s6;
	s12 =	sor.u32 $0x1C02, s12  }
0xb: {  	s7 =	sor.u32 s8, s7;
	s30 =	sshrl.u32 s10, $0x1;
	s31 =	sshrl.u32 s11, $0x2  }
0xc: {  	s11 =	simm.s32 $0x4000;
	s7 =	sadd.s32 s7, s6;
	s8 =	sadd.s32 s9, s29  }
0xd: {  	s9 =	ssub.s32 s10, s30;
	s13 =	sadd.s32 s31, s3;
	s10 =	simm.s32 $0x2  }
0xe: {  	s8 =	sadd.s32 s8, s6;
	s6 =	sadd.s32 $0xBE400, s7;
	s7 =	sadd.s32 $0xCE400, s7  }
0xf: {  	s9 =	smax.u32 s9, $0x1;
	s13 =	sshrl.u32 s13, $0x3;
	s8 =	sadd.s32 $0xE0C00, s8  }
.LBB2_1:
0x10: {  	[tilespmem:s4], [sflag:$0x2] =	stream.linear.gather [hbm4b:s6+s4], $0x3E80, $0x38;
	[tilespmem:$0x1E800] =	vst v63  }
0x11: {  	_ =	swait.ge [sflag:s10], $0x3E80  }
0x12: {  	[sflag:s10] =	ssyncset.done $0x0  }
0x13: {  	[sflag:s10] =	ssyncadd.s32 $0xFFFFC180  }
0x14: {  	[tilespmem:s11], [sflag:$0x2] =	stream.linear.gather [hbm4b:s7+s4], $0x3E80, $0x38;
	[tilespmem:$0x1E800] =	vst v63  }
0x15: {  	_ =	swait.ge [sflag:s10], $0x3E80  }
0x16: {  	[sflag:s10] =	ssyncset.done $0x0  }
0x17: {  	[sflag:s10] =	ssyncadd.s32 $0xFFFFC180  }
0x18: {  	[spmem:s13], [sflag:s12] =	dma.local [hbm:s5], $0x2800  }
0x19: {  	_ =	swait.ge [sflag:s10], $0x2800  }
0x1a: {  	[sflag:s10] =	ssyncset.done $0x0  }
0x1b: {  	[sflag:s10] =	ssyncadd.s32 $0xFFFFD800  }
0x1c: {  	s18 =	simm.s32 $0x0;
	[bflag:$0x0] =	sbarrier.arrive $0xFFFF  }
0x1d: {  	[tilespmem:s15], [sflag:$0x1] =	stream.indirect.gather [hbm4b:s1+s14], $0x80, s18, s14, $0xb8;
	[tilespmem:$0x1E800] =	vst v63  }
0x1e: {  	_ =	swait.ge [sflag:s16], $0x2800  }
0x1f: {  	[sflag:s16] =	ssyncset.done $0x0  }
0x20: {  	s31 =	simm.s32 $0x4000;
	[sflag:s16] =	ssyncadd.s32 $0xFFFFD800  }
0x21: {  	[spmem:s3] =	stream.indirect.scatter.add.f32 [tilespmem:s15], [sflag:$0x2], $0x80, s31, s14, $0xb8;
	[tilespmem:$0x1E800] =	vst v63  }
0x22: {  	_ =	swait.ge [sflag:s10], $0x2800  }
0x23: {  	s19 =	simm.s32 $0x400;
	s18 =	simm.s32 $0x200;
	[sflag:s10] =	ssyncset.done $0x0  }
.LBB2_2:
0x24: {  	s20 =	sshra.s32 s18, $0x2  }
0x25: {  	[sflag:s10] =	ssyncadd.s32 $0xFFFFD800;
	s18 =	smov.u32 s19;
	s21 =	sadd.s32 $0x200, s19  }
0x26: {  	[tilespmem:s15], [sflag:$0x1] =	stream.indirect.gather [hbm4b:s1+s14], $0x80, s20, s14, $0xb8;
	[tilespmem:$0x1E800] =	vst v63  }
0x27: {  	p0 =	sne.s32 s19, $0xF800;
	_ =	swait.ge [sflag:s16], $0x2800  }
.Ltmp0:
0x28: {  	[sflag:s16] =	ssyncset.done $0x0;
	(pc) =	sbr.rel @p0 .LBB2_2-.Ltmp0, $4  }
0x29: {  	s19 =	sadd.s32 $0x4000, s20;
	[sflag:s16] =	ssyncadd.s32 $0xFFFFD800  }
0x2a: {  	[spmem:s3] =	stream.indirect.scatter.add.f32 [tilespmem:s15], [sflag:$0x2], $0x80, s19, s14, $0xb8;
	[tilespmem:$0x1E800] =	vst v63  }
0x2b: {  	_ =	swait.ge [sflag:s10], $0x2800  }
0x2c: {  	s19 =	smov.u32 s21;
	[sflag:s10] =	ssyncset.done $0x0  }
0x2d: {  	s18 =	sshra.s32 s18, $0x2;
	[sflag:s10] =	ssyncadd.s32 $0xFFFFD800  }
0x2e: {  	[tilespmem:s15], [sflag:$0x1] =	stream.indirect.gather [hbm4b:s1+s14], $0x80, s18, s14, $0xb8;
	[tilespmem:$0x1E800] =	vst v63  }
0x2f: {  	_ =	swait.ge [sflag:s16], $0x2800  }
0x30: {  	[sflag:s16] =	ssyncset.done $0x0  }
0x31: {  	s18 =	sadd.s32 $0x4000, s18;
	[sflag:s16] =	ssyncadd.s32 $0xFFFFD800  }
0x32: {  	[spmem:s3] =	stream.indirect.scatter.add.f32 [tilespmem:s15], [sflag:$0x2], $0x80, s18, s14, $0xb8;
	[tilespmem:$0x1E800] =	vst v63  }
0x33: {  	_ =	swait.ge [sflag:s10], $0x2800  }
0x34: {  	s17 =	sadd.s32 $0x1, s17;
	[sflag:s10] =	ssyncset.done $0x0  }
0x35: {  	p0 =	sne.s32 s17, s9;
	[sflag:s10] =	ssyncadd.s32 $0xFFFFD800  }
.Ltmp1:
0x36: {  	[bflag:$0x0] =	sbarrier.arrive $0xFFFF;
	(pc) =	sbr.rel @p0 .LBB2_1-.Ltmp1, $4  }
0x37: {  	[hbm:s8], [sflag:s12] =	dma.local [spmem:s13], $0x2800  }
0x38: {  	_ =	swait.ge [sflag:s10], $0x2800  }
0x39: {  	[sflag:s10] =	ssyncset.done $0x0  }
0x3a: {  	[sflag:s10] =	ssyncadd.s32 $0xFFFFD800  }
0x3b: {  	_ =	sfence.sel $0x180000  }
0x3c: {  	[bflag:$0x0] =	sbarrier.arrive $0xFFFF  }
0x3d: {  	p0 =	sne.s32 s2, $0x0;
	_ =	strace $0x90000050  }
0x3e: {  	s0 =	sadd.s32 @!p0 $0x100000, s0;
	[bflag:$0x2] =	sbarrier.arrive $0xFFFF  }
0x3f: {  	[sflag:s0] =	ssyncadd.tile.s32 @!p0 $0x1;
	_ =	shalt  }
.Lfunc_end2:
_tile_overlayer_lowered:
.L_overlay_start_2:
0x40: {  	(tag) =	ssettag $0x2  }
0x41: {  	s0 =	rddreg [dreg:$0x0];
	s2 =	stileid.u32  }
0x42: {  	s1 =	rddreg [dreg:$0x1];
	p0 =	sne.s32 s2, $0x0  }
0x43: {  	s3 =	rddreg [dreg:$0x2];
	[bflag:$0x3] =	sbarrier.arrive $0xFFFF;
	s2 =	simm.s32 @!p0 $0x1C02  }
0x44: {  	[timem:s3], [sflag:s2] =	dma.local @!p0 [hbm:s0], s1  }
0x45: {  	s0 =	simm.s32 @!p0 $0x2  }
0x46: {  	_ =	swait.ge @!p0 [sflag:s0], s1  }
0x47: {  	s1 =	ssub.s32 @!p0 $0x0, s1;
	[sflag:s0] =	ssyncset.done @!p0 $0x0  }
0x48: {  	[sflag:s0] =	ssyncadd.s32 @!p0 s1  }
0x49: {  	[bflag:$0x3] =	sbarrier.arrive $0xFFFF  }
0x4a: {  	_ =	shalt  }

// kernel: kernel.26.cloned.1.call-start
scs
__scs_entry_jumppad:
0x0: {  	(pc) =	sbr.rel $0x88, $3  }
0x1: {  	(tag) =	ssettag $0x0;
	lr =	simm.s32 $0x1  }
0x2: {  	[smem:$0x3F97] =	sst lr;
	_ =	strace $0xD0000000  }
0x3: {  	_ = 	snop  }
0x4: {  	_ = 	snop  }
0x5: {  	_ = 	snop  }
0x6: {  	_ = 	snop  }
0x7: {  	_ = 	snop  }
__scs_overlays_trampoline_lowered:
0x8: {  	[smem:$0x3FA6] =	sst s0  }
0x9: {  	[smem:$0x3FA7] =	sst s1  }
0xa: {  	[smem:$0x3FA8] =	sst s2  }
0xb: {  	[smem:$0x3FA9] =	sst s3  }
0xc: {  	[smem:$0x3FAA] =	sst s4  }
0xd: {  	[smem:$0x3FAB] =	sst s5  }
0xe: {  	[smem:$0x3FAC] =	sst s6  }
0xf: {  	[smem:$0x3FAD] =	sst s7  }
0x10: {  	[smem:$0x3FAE] =	sst s8  }
0x11: {  	[smem:$0x3FAF] =	sst s9;
	s0 =	simm.s32 @!p0 $0x0  }
0x12: {  	s1 =	sld [smem:$0x3F95];
	s0 =	simm.s32 @p0 $0x1  }
0x13: {  	[smem:$0x3FB0] =	sst s0;
	s0 =	simm.s32 @!p1 $0x0  }
0x14: {  	s2 =	sld [smem:$0x3F94];
	s0 =	simm.s32 @p1 $0x1  }
0x15: {  	[smem:$0x3FB1] =	sst s0;
	s0 =	simm.s32 @!p2 $0x0  }
0x16: {  	s3 =	sld [smem:$0x3FDB];
	s0 =	simm.s32 @p2 $0x1  }
0x17: {  	s4 =	simm.s32 $0x1BF5;
	[smem:$0x3FB3] =	sst s0  }
0x18: {  	s0 =	sld [smem:$0x3F96];
	_ =	swait.ge [sflag:s4], $0x0  }
0x19: {  	s7 =	sld [smem:$0x3F97]  }
0x1a: {  	s8 =	sadd.s32 $0xFFFFE003, lr  }
0x1b: {  	s9 =	sadd.s32 $0xFFFFFEF7, lr;
	s5 =	simm.s32 $0xFFFFFFFF;
	p2 =	slt.u32 s8, $0xFFFFF086  }
0x1c: {  	p1 =	slt.u32 s9, $0xF7A;
	s5 =	simm.s32 @!p2 $0x0  }
0x1d: {  	s5 =	simm.s32 @p1 $0x1;
	p0 =	seq.s32 s7, s2  }
0x1e: {  	s7 =	smul.u32 @!p0 $0xF7A, s2;
	p2 =	seq.s32 @!p0 s5, $0x0  }
0x1f: {  	s9 =	smul.u32 $0xF7A, s1;
	s8 =	simm.s32 @!p0 $0x1BF5;
	p2 =	por !p2, p0  }
0x20: {  	[sflag:s8] =	ssyncset.s32 @!p0 $0xFFFFF086;
	s6 =	sadd.s32 @!p0 s3, s7;
	s7 =	simm.s32 @!p0 $0x108  }
0x21: {  	s3 =	sadd.s32 s3, s9;
	s6 =	sadd.s32 @!p0 $0x88, s6;
	s7 =	simm.s32 @p2 $0x1082  }
0x22: {  	[simem:s7], [sflag:s8] =	dma.local @!p0 [hbm:s6], $0xF7A  }
0x23: {  	s9 =	sor.u32 $0xD0000000, s2;
	s6 =	simm.s32 $0x108;
	_ =	swait.ge @!p0 [sflag:s8], $0x0  }
0x24: {  	s3 =	sadd.s32 $0x88, s3;
	s6 =	simm.s32 @!p1 $0x1082;
	[sflag:s4] =	ssyncset.s32 $0xFFFFF086  }
0x25: {  	[simem:s6], [sflag:s4] =	dma.local [hbm:s3], $0xF7A  }
0x26: {  	[smem:$0x3F97] =	sst s1;
	(tag) =	ssettag s2;
	_ =	strace s9  }
0x27: {  	s1 =	sld [smem:$0x3FA7]  }
0x28: {  	s2 =	sld [smem:$0x3FA8]  }
0x29: {  	s4 =	sld [smem:$0x3FAA]  }
0x2a: {  	p0 =	seq.s32 s5, $0x0;
	s5 =	sld [smem:$0x3FAB]  }
0x2b: {  	s6 =	sld [smem:$0x3FAC]  }
0x2c: {  	s7 =	sld [smem:$0x3FAD]  }
0x2d: {  	s3 =	simm.s32 $0x108;
	s8 =	sld [smem:$0x3FAE]  }
0x2e: {  	s3 =	simm.s32 @!p0 $0x1082;
	s9 =	sld [smem:$0x3FAF]  }
0x2f: {  	lr =	sadd.s32 s0, s3;
	s0 =	sld [smem:$0x3FA6]  }
0x30: {  	s3 =	sld [smem:$0x3FA9]  }
0x31: {  	[smem:$0x3FB2] =	sst s10  }
0x32: {  	s10 =	sld [smem:$0x3FB0];
	_ =	sdelay $0x3  }
0x33: {  	p0 =	seq.s32 s10, $0x1;
	s10 =	sld [smem:$0x3FB2];
	_ =	sdelay $0x3  }
0x34: {  	[smem:$0x3FB2] =	sst s10  }
0x35: {  	s10 =	sld [smem:$0x3FB1];
	_ =	sdelay $0x3  }
0x36: {  	p1 =	seq.s32 s10, $0x1;
	s10 =	sld [smem:$0x3FB2];
	_ =	sdelay $0x3  }
0x37: {  	[smem:$0x3FB2] =	sst s10  }
0x38: {  	s10 =	sld [smem:$0x3FB3]  }
0x39: {  	_ = 	snop;
	(pc) =	sbr.ind lr, $3  }
0x3a: {  	_ = 	snop  }
0x3b: {  	_ = 	snop  }
0x3c: {  	p2 =	seq.s32 s10, $0x1;
	s10 =	sld [smem:$0x3FB2]  }
0x3d: {  	_ =	shalt  }
0x3e: {  	_ =	shalt  }
0x3f: {  	_ =	shalt  }
0x40: {  	_ =	shalt  }
0x41: {  	_ =	shalt  }
0x42: {  	_ =	shalt  }
0x43: {  	_ =	shalt  }
0x44: {  	_ =	shalt  }
0x45: {  	_ =	shalt  }
0x46: {  	_ =	shalt  }
0x47: {  	_ =	shalt  }
0x48: {  	_ =	shalt  }
0x49: {  	_ =	shalt  }
0x4a: {  	_ =	shalt  }
0x4b: {  	_ =	shalt  }
0x4c: {  	_ =	shalt  }
0x4d: {  	_ =	shalt  }
0x4e: {  	_ =	shalt  }
0x4f: {  	_ =	shalt  }
0x50: {  	_ =	shalt  }
0x51: {  	_ =	shalt  }
0x52: {  	_ =	shalt  }
0x53: {  	_ =	shalt  }
0x54: {  	_ =	shalt  }
0x55: {  	_ =	shalt  }
0x56: {  	_ =	shalt  }
0x57: {  	_ =	shalt  }
0x58: {  	_ =	shalt  }
0x59: {  	_ =	shalt  }
0x5a: {  	_ =	shalt  }
0x5b: {  	_ =	shalt  }
0x5c: {  	_ =	shalt  }
0x5d: {  	_ =	shalt  }
0x5e: {  	_ =	shalt  }
0x5f: {  	_ =	shalt  }
0x60: {  	_ =	shalt  }
0x61: {  	_ =	shalt  }
0x62: {  	_ =	shalt  }
0x63: {  	_ =	shalt  }
0x64: {  	_ =	shalt  }
0x65: {  	_ =	shalt  }
0x66: {  	_ =	shalt  }
0x67: {  	_ =	shalt  }
0x68: {  	_ =	shalt  }
0x69: {  	_ =	shalt  }
0x6a: {  	_ =	shalt  }
0x6b: {  	_ =	shalt  }
0x6c: {  	_ =	shalt  }
0x6d: {  	_ =	shalt  }
0x6e: {  	_ =	shalt  }
0x6f: {  	_ =	shalt  }
0x70: {  	_ =	shalt  }
0x71: {  	_ =	shalt  }
0x72: {  	_ =	shalt  }
0x73: {  	_ =	shalt  }
0x74: {  	_ =	shalt  }
0x75: {  	_ =	shalt  }
0x76: {  	_ =	shalt  }
0x77: {  	_ =	shalt  }
0x78: {  	_ =	shalt  }
0x79: {  	_ =	shalt  }
0x7a: {  	_ =	shalt  }
0x7b: {  	_ =	shalt  }
0x7c: {  	_ =	shalt  }
0x7d: {  	_ =	shalt  }
0x7e: {  	_ =	shalt  }
0x7f: {  	_ =	shalt  }
0x80: {  	_ =	shalt  }
0x81: {  	_ =	shalt  }
0x82: {  	_ =	shalt  }
0x83: {  	_ =	shalt  }
0x84: {  	_ =	shalt  }
0x85: {  	_ =	shalt  }
0x86: {  	_ =	shalt  }
0x87: {  	_ =	shalt  }
.Lfunc_end0:
.L_simem_size_0:
called_computation.4_lowered:
.L_overlay_start_0:
0x88: {  	s2 =	sld [smem:$0x3FD9]  }
0x89: {  	s3 =	sld [smem:$0x3FFE];
	_ =	sdelay $0x1  }
0x8a: {  	s1 =	srdreg.scid  }
0x8b: {  	s0 =	sand.u32 $0x1, s1  }
0x8c: {  	s17 =	sshll.u32 s0, $0xA;
	s2 =	sadd.s32 s3, s2  }
0x8d: {  	s2 =	sadd.s32 s2, s17  }
0x8e: {  	[smem:$0x3FBE] =	sst s2  }
0x8f: {  	_ = 	snop  }
0x90: {  	s2 =	sld [smem:$0x3FD0];
	(tm) =	ssettm $0x1  }
0x91: {  	s18 =	sld [smem:$0x3FFB];
	_ =	sdelay $0x3  }
0x92: {  	_ =	strace s18  }
0x93: {  	s3 =	sld [smem:$0x3FFC];
	_ =	sdelay $0x3  }
0x94: {  	_ =	strace s3  }
0x95: {  	s3 =	sld [smem:$0x3FFD];
	_ =	sdelay $0x3  }
0x96: {  	_ =	strace s3  }
0x97: {  	_ =	strace $0x8FFFFFFF  }
0x98: {  	s19 =	sld [smem:$0x3FDB];
	_ =	sdelay $0x1  }
0x99: {  	s4 =	simm.s32 $_scs_section_size  }
0x9a: {  	s5 =	simm.s32 $_size__tile_overlayer_lowered;
	s6 =	simm.s32 $_tile_overlayer_lowered  }
0x9b: {  	s22 =	simm.s32 $0x1BFF;
	s21 =	sshll.u32 s6, $0x1;
	s3 =	sadd.s32 s4, s19  }
0x9c: {  	s7 =	simm.s32 $0x0;
	s20 =	sshll.u32 s5, $0x1;
	s5 =	sadd.s32 s21, s3  }
0x9d: {  	[timem:s7], [sflag:s22] =	dma.local [hbm:s5], s20  }
0x9e: {  	_ =	swait.ge [sflag:s22], s20  }
0x9f: {  	s4 =	ssub.s32 $0x0, s20;
	[sflag:s22] =	ssyncset.done $0x0  }
0xa0: {  	[sflag:s22] =	ssyncadd.s32 s4;
	_ =	sdelay $0x1  }
0xa1: {  	s23 =	simm.s32 $0x1B8B  }
0xa2: {  	_ =	swait.ge [sflag:s23], $0x1  }
0xa3: {  	[sflag:s23] =	ssyncset.done $0x0  }
0xa4: {  	s25 =	simm.s32 $0x1B8E;
	s24 =	sld [smem:$0x3FFE];
	[sflag:s23] =	ssyncadd.s32 $0xFFFFFFFF  }
0xa5: {  	s26 =	simm.s32 $execute0_lowered;
	[smem:$0x3FD2] =	sst s25  }
0xa6: {  	s5 =	sshll.u32 s26, $0x1;
	_ =	strace $0x80000052;
	[dreg:$0x1] =	wrdreg $0xFFFFFFFF  }
0xa7: {  	s28 =	simm.s32 $_size_execute0_lowered;
	s3 =	sadd.s32 s3, s5;
	[dreg:$0x0] =	wrdreg $0x0  }
0xa8: {  	s5 =	sshll.u32 s28, $0x1;
	[dreg:$0x2] =	wrdreg s3  }
0xa9: {  	[dreg:$0x3] =	wrdreg s5  }
0xaa: {  	[dreg:$0x4] =	wrdreg $0xC0  }
0xab: {  	_ =	task [dreg:s7], $0x5FFFF  }
0xac: {  	[dreg:$0x1] =	wrdreg $0xFFFFFFFF  }
0xad: {  	[dreg:$0x0] =	wrdreg $0x60  }
0xae: {  	[dreg:$0x2] =	wrdreg s2  }
0xaf: {  	[dreg:$0x3] =	wrdreg s24  }
0xb0: {  	[dreg:$0x4] =	wrdreg $0xA8000  }
0xb1: {  	[dreg:$0x5] =	wrdreg $0x9  }
0xb2: {  	_ =	task.clear_ibuf [dreg:s7], $0x6FFFF;
	_ =	strace $0x90000052  }
0xb3: {  	s29 =	simm.s32 $0x9;
	_ =	strace $0x80000054  }
0xb4: {  	_ =	swait.ge [sflag:s29], $0x1  }
0xb5: {  	[sflag:s29] =	ssyncadd.s32 $0xFFFFFFFF  }
0xb6: {  	_ =	strace $0x90000054  }
0xb7: {  	_ =	sfence  }
0xb8: {  	s30 =	sld [smem:$0x0];
	_ =	sdelay $0x2  }
0xb9: {  	s31 =	sshll.u32 s1, $0xD;
	s1 =	sshrl.u32 s1, $0x2  }
0xba: {  	s3 =	sand.u32 $0x4000, s31;
	s1 =	sadd.s32 s1, s30  }
0xbb: {  	s0 =	sor.u32 s3, s0;
	s1 =	sshll.u32 s1, $0x11  }
0xbc: {  	s0 =	sor.u32 s1, s0  }
0xbd: {  	s0 =	sadd.s32 $0x8F2B, s0  }
0xbe: {  	[sflag:s0] =	ssyncadd.remote.s32 $0x1  }
0xbf: {  	_ =	sfence.sel $0xFFFF  }
0xc0: {  	[dreg:$0x0] =	wrdreg $0xFFFFFFFF;
	(pc) =	sbr.abs _section_cstart, $3  }
0xc1: {  	[dreg:$0x1] =	wrdreg $0xFFFFFFFF  }
0xc2: {  	_ =	task.clear_ibuf [dreg:s7], $0x2FFFF;
	_ =	strace $0x9FFFFFFF  }
0xc3: {  	(tm) =	ssettm $0x7FFFFFFF  }
tec
execute0_lowered:
.L_overlay_start_1:
0x0: {  	(tag) =	ssettag $0x1  }
0x1: {  	s1 =	rddreg [dreg:$0x0]  }
0x2: {  	s6 =	rddreg [dreg:$0x1]  }
0x3: {  	s3 =	rddreg [dreg:$0x2]  }
0x4: {  	s0 =	rddreg [dreg:$0x3];
	s5 =	srdreg.scid  }
0x5: {  	s4 =	simm.s32 $0x0;
	s2 =	stileid.u32;
	s14 =	simm.s32 $0x50  }
0x6: {  	s15 =	simm.s32 $0x8000;
	s16 =	simm.s32 $0x1;
	s17 =	simm.s32 $0x0  }
0x7: {  	s5 =	sand.u32 $0x1, s5;
	s7 =	sshll.u32 s2, $0xC;
	s9 =	smul.u32 $0x2800, s2  }
0x8: {  	[smem:$0x7FF] =	sst s4;
	s11 =	smul.u32 $0x50000, s2;
	s12 =	sshll.u32 s2, $0x6  }
0x9: {  	s8 =	sshll.u32 s5, $0xB;
	s29 =	smul.u32 $0x28000, s5;
	_ =	strace $0x80000053  }
0xa: {  	s10 =	ssub.s32 $0x2, s5;
	s5 =	sadd.s32 $0xDE400, s6;
	s12 =	sor.u32 $0x1C02, s12  }
0xb: {  	s7 =	sor.u32 s8, s7;
	s30 =	sshrl.u32 s10, $0x1;
	s31 =	sshrl.u32 s11, $0x2  }
0xc: {  	s11 =	simm.s32 $0x4000;
	s7 =	sadd.s32 s7, s6;
	s8 =	sadd.s32 s9, s29  }
0xd: {  	s9 =	ssub.s32 s10, s30;
	s13 =	sadd.s32 s31, s3;
	s10 =	simm.s32 $0x2  }
0xe: {  	s8 =	sadd.s32 s8, s6;
	s6 =	sadd.s32 $0xBE400, s7;
	s7 =	sadd.s32 $0xCE400, s7  }
0xf: {  	s9 =	smax.u32 s9, $0x1;
	s13 =	sshrl.u32 s13, $0x3;
	s8 =	sadd.s32 $0x53800, s8  }
.LBB2_1:
0x10: {  	[tilespmem:s4], [sflag:$0x2] =	stream.linear.gather [hbm4b:s6+s4], $0x3E80, $0x38;
	[tilespmem:$0x1E800] =	vst v63  }
0x11: {  	_ =	swait.ge [sflag:s10], $0x3E80  }
0x12: {  	[sflag:s10] =	ssyncset.done $0x0  }
0x13: {  	[sflag:s10] =	ssyncadd.s32 $0xFFFFC180  }
0x14: {  	[tilespmem:s11], [sflag:$0x2] =	stream.linear.gather [hbm4b:s7+s4], $0x3E80, $0x38;
	[tilespmem:$0x1E800] =	vst v63  }
0x15: {  	_ =	swait.ge [sflag:s10], $0x3E80  }
0x16: {  	[sflag:s10] =	ssyncset.done $0x0  }
0x17: {  	[sflag:s10] =	ssyncadd.s32 $0xFFFFC180  }
0x18: {  	[spmem:s13], [sflag:s12] =	dma.local [hbm:s5], $0x2800  }
0x19: {  	_ =	swait.ge [sflag:s10], $0x2800  }
0x1a: {  	[sflag:s10] =	ssyncset.done $0x0  }
0x1b: {  	[sflag:s10] =	ssyncadd.s32 $0xFFFFD800  }
0x1c: {  	s18 =	simm.s32 $0x0;
	[bflag:$0x0] =	sbarrier.arrive $0xFFFF  }
0x1d: {  	[tilespmem:s15], [sflag:$0x1] =	stream.indirect.gather [hbm4b:s1+s14], $0x80, s18, s14, $0xb8;
	[tilespmem:$0x1E800] =	vst v63  }
0x1e: {  	_ =	swait.ge [sflag:s16], $0x2800  }
0x1f: {  	[sflag:s16] =	ssyncset.done $0x0  }
0x20: {  	s31 =	simm.s32 $0x4000;
	[sflag:s16] =	ssyncadd.s32 $0xFFFFD800  }
0x21: {  	[spmem:s3] =	stream.indirect.scatter.add.f32 [tilespmem:s15], [sflag:$0x2], $0x80, s31, s14, $0xb8;
	[tilespmem:$0x1E800] =	vst v63  }
0x22: {  	_ =	swait.ge [sflag:s10], $0x2800  }
0x23: {  	s19 =	simm.s32 $0x400;
	s18 =	simm.s32 $0x200;
	[sflag:s10] =	ssyncset.done $0x0  }
.LBB2_2:
0x24: {  	s20 =	sshra.s32 s18, $0x2  }
0x25: {  	[sflag:s10] =	ssyncadd.s32 $0xFFFFD800;
	s18 =	smov.u32 s19;
	s21 =	sadd.s32 $0x200, s19  }
0x26: {  	[tilespmem:s15], [sflag:$0x1] =	stream.indirect.gather [hbm4b:s1+s14], $0x80, s20, s14, $0xb8;
	[tilespmem:$0x1E800] =	vst v63  }
0x27: {  	p0 =	sne.s32 s19, $0xF800;
	_ =	swait.ge [sflag:s16], $0x2800  }
.Ltmp0:
0x28: {  	[sflag:s16] =	ssyncset.done $0x0;
	(pc) =	sbr.rel @p0 .LBB2_2-.Ltmp0, $4  }
0x29: {  	s19 =	sadd.s32 $0x4000, s20;
	[sflag:s16] =	ssyncadd.s32 $0xFFFFD800  }
0x2a: {  	[spmem:s3] =	stream.indirect.scatter.add.f32 [tilespmem:s15], [sflag:$0x2], $0x80, s19, s14, $0xb8;
	[tilespmem:$0x1E800] =	vst v63  }
0x2b: {  	_ =	swait.ge [sflag:s10], $0x2800  }
0x2c: {  	s19 =	smov.u32 s21;
	[sflag:s10] =	ssyncset.done $0x0  }
0x2d: {  	s18 =	sshra.s32 s18, $0x2;
	[sflag:s10] =	ssyncadd.s32 $0xFFFFD800  }
0x2e: {  	[tilespmem:s15], [sflag:$0x1] =	stream.indirect.gather [hbm4b:s1+s14], $0x80, s18, s14, $0xb8;
	[tilespmem:$0x1E800] =	vst v63  }
0x2f: {  	_ =	swait.ge [sflag:s16], $0x2800  }
0x30: {  	[sflag:s16] =	ssyncset.done $0x0  }
0x31: {  	s18 =	sadd.s32 $0x4000, s18;
	[sflag:s16] =	ssyncadd.s32 $0xFFFFD800  }
0x32: {  	[spmem:s3] =	stream.indirect.scatter.add.f32 [tilespmem:s15], [sflag:$0x2], $0x80, s18, s14, $0xb8;
	[tilespmem:$0x1E800] =	vst v63  }
0x33: {  	_ =	swait.ge [sflag:s10], $0x2800  }
0x34: {  	s17 =	sadd.s32 $0x1, s17;
	[sflag:s10] =	ssyncset.done $0x0  }
0x35: {  	p0 =	sne.s32 s17, s9;
	[sflag:s10] =	ssyncadd.s32 $0xFFFFD800  }
.Ltmp1:
0x36: {  	[bflag:$0x0] =	sbarrier.arrive $0xFFFF;
	(pc) =	sbr.rel @p0 .LBB2_1-.Ltmp1, $4  }
0x37: {  	[hbm:s8], [sflag:s12] =	dma.local [spmem:s13], $0x2800  }
0x38: {  	_ =	swait.ge [sflag:s10], $0x2800  }
0x39: {  	[sflag:s10] =	ssyncset.done $0x0  }
0x3a: {  	[sflag:s10] =	ssyncadd.s32 $0xFFFFD800  }
0x3b: {  	_ =	sfence.sel $0x180000  }
0x3c: {  	[bflag:$0x0] =	sbarrier.arrive $0xFFFF  }
0x3d: {  	p0 =	sne.s32 s2, $0x0;
	_ =	strace $0x90000053  }
0x3e: {  	s0 =	sadd.s32 @!p0 $0x100000, s0;
	[bflag:$0x2] =	sbarrier.arrive $0xFFFF  }
0x3f: {  	[sflag:s0] =	ssyncadd.tile.s32 @!p0 $0x1;
	_ =	shalt  }
.Lfunc_end2:
_tile_overlayer_lowered:
.L_overlay_start_2:
0x40: {  	(tag) =	ssettag $0x2  }
0x41: {  	s0 =	rddreg [dreg:$0x0];
	s2 =	stileid.u32  }
0x42: {  	s1 =	rddreg [dreg:$0x1];
	p0 =	sne.s32 s2, $0x0  }
0x43: {  	s3 =	rddreg [dreg:$0x2];
	[bflag:$0x3] =	sbarrier.arrive $0xFFFF;
	s2 =	simm.s32 @!p0 $0x1C02  }
0x44: {  	[timem:s3], [sflag:s2] =	dma.local @!p0 [hbm:s0], s1  }
0x45: {  	s0 =	simm.s32 @!p0 $0x2  }
0x46: {  	_ =	swait.ge @!p0 [sflag:s0], s1  }
0x47: {  	s1 =	ssub.s32 @!p0 $0x0, s1;
	[sflag:s0] =	ssyncset.done @!p0 $0x0  }
0x48: {  	[sflag:s0] =	ssyncadd.s32 @!p0 s1  }
0x49: {  	[bflag:$0x3] =	sbarrier.arrive $0xFFFF  }
0x4a: {  	_ =	shalt  }

// kernel: kernel.29.cloned.1.call-start
scs
__scs_entry_jumppad:
0x0: {  	(pc) =	sbr.rel $0x88, $3  }
0x1: {  	(tag) =	ssettag $0x0;
	lr =	simm.s32 $0x1  }
0x2: {  	[smem:$0x3F97] =	sst lr;
	_ =	strace $0xD0000000  }
0x3: {  	_ = 	snop  }
0x4: {  	_ = 	snop  }
0x5: {  	_ = 	snop  }
0x6: {  	_ = 	snop  }
0x7: {  	_ = 	snop  }
__scs_overlays_trampoline_lowered:
0x8: {  	[smem:$0x3FA6] =	sst s0  }
0x9: {  	[smem:$0x3FA7] =	sst s1  }
0xa: {  	[smem:$0x3FA8] =	sst s2  }
0xb: {  	[smem:$0x3FA9] =	sst s3  }
0xc: {  	[smem:$0x3FAA] =	sst s4  }
0xd: {  	[smem:$0x3FAB] =	sst s5  }
0xe: {  	[smem:$0x3FAC] =	sst s6  }
0xf: {  	[smem:$0x3FAD] =	sst s7  }
0x10: {  	[smem:$0x3FAE] =	sst s8  }
0x11: {  	[smem:$0x3FAF] =	sst s9;
	s0 =	simm.s32 @!p0 $0x0  }
0x12: {  	s1 =	sld [smem:$0x3F95];
	s0 =	simm.s32 @p0 $0x1  }
0x13: {  	[smem:$0x3FB0] =	sst s0;
	s0 =	simm.s32 @!p1 $0x0  }
0x14: {  	s2 =	sld [smem:$0x3F94];
	s0 =	simm.s32 @p1 $0x1  }
0x15: {  	[smem:$0x3FB1] =	sst s0;
	s0 =	simm.s32 @!p2 $0x0  }
0x16: {  	s3 =	sld [smem:$0x3FDB];
	s0 =	simm.s32 @p2 $0x1  }
0x17: {  	s4 =	simm.s32 $0x1BF5;
	[smem:$0x3FB3] =	sst s0  }
0x18: {  	s0 =	sld [smem:$0x3F96];
	_ =	swait.ge [sflag:s4], $0x0  }
0x19: {  	s7 =	sld [smem:$0x3F97]  }
0x1a: {  	s8 =	sadd.s32 $0xFFFFE003, lr  }
0x1b: {  	s9 =	sadd.s32 $0xFFFFFEF7, lr;
	s5 =	simm.s32 $0xFFFFFFFF;
	p2 =	slt.u32 s8, $0xFFFFF086  }
0x1c: {  	p1 =	slt.u32 s9, $0xF7A;
	s5 =	simm.s32 @!p2 $0x0  }
0x1d: {  	s5 =	simm.s32 @p1 $0x1;
	p0 =	seq.s32 s7, s2  }
0x1e: {  	s7 =	smul.u32 @!p0 $0xF7A, s2;
	p2 =	seq.s32 @!p0 s5, $0x0  }
0x1f: {  	s9 =	smul.u32 $0xF7A, s1;
	s8 =	simm.s32 @!p0 $0x1BF5;
	p2 =	por !p2, p0  }
0x20: {  	[sflag:s8] =	ssyncset.s32 @!p0 $0xFFFFF086;
	s6 =	sadd.s32 @!p0 s3, s7;
	s7 =	simm.s32 @!p0 $0x108  }
0x21: {  	s3 =	sadd.s32 s3, s9;
	s6 =	sadd.s32 @!p0 $0x88, s6;
	s7 =	simm.s32 @p2 $0x1082  }
0x22: {  	[simem:s7], [sflag:s8] =	dma.local @!p0 [hbm:s6], $0xF7A  }
0x23: {  	s9 =	sor.u32 $0xD0000000, s2;
	s6 =	simm.s32 $0x108;
	_ =	swait.ge @!p0 [sflag:s8], $0x0  }
0x24: {  	s3 =	sadd.s32 $0x88, s3;
	s6 =	simm.s32 @!p1 $0x1082;
	[sflag:s4] =	ssyncset.s32 $0xFFFFF086  }
0x25: {  	[simem:s6], [sflag:s4] =	dma.local [hbm:s3], $0xF7A  }
0x26: {  	[smem:$0x3F97] =	sst s1;
	(tag) =	ssettag s2;
	_ =	strace s9  }
0x27: {  	s1 =	sld [smem:$0x3FA7]  }
0x28: {  	s2 =	sld [smem:$0x3FA8]  }
0x29: {  	s4 =	sld [smem:$0x3FAA]  }
0x2a: {  	p0 =	seq.s32 s5, $0x0;
	s5 =	sld [smem:$0x3FAB]  }
0x2b: {  	s6 =	sld [smem:$0x3FAC]  }
0x2c: {  	s7 =	sld [smem:$0x3FAD]  }
0x2d: {  	s3 =	simm.s32 $0x108;
	s8 =	sld [smem:$0x3FAE]  }
0x2e: {  	s3 =	simm.s32 @!p0 $0x1082;
	s9 =	sld [smem:$0x3FAF]  }
0x2f: {  	lr =	sadd.s32 s0, s3;
	s0 =	sld [smem:$0x3FA6]  }
0x30: {  	s3 =	sld [smem:$0x3FA9]  }
0x31: {  	[smem:$0x3FB2] =	sst s10  }
0x32: {  	s10 =	sld [smem:$0x3FB0];
	_ =	sdelay $0x3  }
0x33: {  	p0 =	seq.s32 s10, $0x1;
	s10 =	sld [smem:$0x3FB2];
	_ =	sdelay $0x3  }
0x34: {  	[smem:$0x3FB2] =	sst s10  }
0x35: {  	s10 =	sld [smem:$0x3FB1];
	_ =	sdelay $0x3  }
0x36: {  	p1 =	seq.s32 s10, $0x1;
	s10 =	sld [smem:$0x3FB2];
	_ =	sdelay $0x3  }
0x37: {  	[smem:$0x3FB2] =	sst s10  }
0x38: {  	s10 =	sld [smem:$0x3FB3]  }
0x39: {  	_ = 	snop;
	(pc) =	sbr.ind lr, $3  }
0x3a: {  	_ = 	snop  }
0x3b: {  	_ = 	snop  }
0x3c: {  	p2 =	seq.s32 s10, $0x1;
	s10 =	sld [smem:$0x3FB2]  }
0x3d: {  	_ =	shalt  }
0x3e: {  	_ =	shalt  }
0x3f: {  	_ =	shalt  }
0x40: {  	_ =	shalt  }
0x41: {  	_ =	shalt  }
0x42: {  	_ =	shalt  }
0x43: {  	_ =	shalt  }
0x44: {  	_ =	shalt  }
0x45: {  	_ =	shalt  }
0x46: {  	_ =	shalt  }
0x47: {  	_ =	shalt  }
0x48: {  	_ =	shalt  }
0x49: {  	_ =	shalt  }
0x4a: {  	_ =	shalt  }
0x4b: {  	_ =	shalt  }
0x4c: {  	_ =	shalt  }
0x4d: {  	_ =	shalt  }
0x4e: {  	_ =	shalt  }
0x4f: {  	_ =	shalt  }
0x50: {  	_ =	shalt  }
0x51: {  	_ =	shalt  }
0x52: {  	_ =	shalt  }
0x53: {  	_ =	shalt  }
0x54: {  	_ =	shalt  }
0x55: {  	_ =	shalt  }
0x56: {  	_ =	shalt  }
0x57: {  	_ =	shalt  }
0x58: {  	_ =	shalt  }
0x59: {  	_ =	shalt  }
0x5a: {  	_ =	shalt  }
0x5b: {  	_ =	shalt  }
0x5c: {  	_ =	shalt  }
0x5d: {  	_ =	shalt  }
0x5e: {  	_ =	shalt  }
0x5f: {  	_ =	shalt  }
0x60: {  	_ =	shalt  }
0x61: {  	_ =	shalt  }
0x62: {  	_ =	shalt  }
0x63: {  	_ =	shalt  }
0x64: {  	_ =	shalt  }
0x65: {  	_ =	shalt  }
0x66: {  	_ =	shalt  }
0x67: {  	_ =	shalt  }
0x68: {  	_ =	shalt  }
0x69: {  	_ =	shalt  }
0x6a: {  	_ =	shalt  }
0x6b: {  	_ =	shalt  }
0x6c: {  	_ =	shalt  }
0x6d: {  	_ =	shalt  }
0x6e: {  	_ =	shalt  }
0x6f: {  	_ =	shalt  }
0x70: {  	_ =	shalt  }
0x71: {  	_ =	shalt  }
0x72: {  	_ =	shalt  }
0x73: {  	_ =	shalt  }
0x74: {  	_ =	shalt  }
0x75: {  	_ =	shalt  }
0x76: {  	_ =	shalt  }
0x77: {  	_ =	shalt  }
0x78: {  	_ =	shalt  }
0x79: {  	_ =	shalt  }
0x7a: {  	_ =	shalt  }
0x7b: {  	_ =	shalt  }
0x7c: {  	_ =	shalt  }
0x7d: {  	_ =	shalt  }
0x7e: {  	_ =	shalt  }
0x7f: {  	_ =	shalt  }
0x80: {  	_ =	shalt  }
0x81: {  	_ =	shalt  }
0x82: {  	_ =	shalt  }
0x83: {  	_ =	shalt  }
0x84: {  	_ =	shalt  }
0x85: {  	_ =	shalt  }
0x86: {  	_ =	shalt  }
0x87: {  	_ =	shalt  }
.Lfunc_end0:
.L_simem_size_0:
called_computation.5_lowered:
.L_overlay_start_0:
0x88: {  	s2 =	sld [smem:$0x3FD9]  }
0x89: {  	s3 =	sld [smem:$0x3FFE];
	_ =	sdelay $0x1  }
0x8a: {  	s1 =	srdreg.scid  }
0x8b: {  	s0 =	sand.u32 $0x1, s1  }
0x8c: {  	s17 =	sshll.u32 s0, $0xA;
	s2 =	sadd.s32 s3, s2  }
0x8d: {  	s2 =	sadd.s32 s2, s17  }
0x8e: {  	[smem:$0x3FBE] =	sst s2  }
0x8f: {  	_ = 	snop  }
0x90: {  	s2 =	sld [smem:$0x3FD0];
	(tm) =	ssettm $0x1  }
0x91: {  	s18 =	sld [smem:$0x3FFB];
	_ =	sdelay $0x3  }
0x92: {  	_ =	strace s18  }
0x93: {  	s3 =	sld [smem:$0x3FFC];
	_ =	sdelay $0x3  }
0x94: {  	_ =	strace s3  }
0x95: {  	s3 =	sld [smem:$0x3FFD];
	_ =	sdelay $0x3  }
0x96: {  	_ =	strace s3  }
0x97: {  	_ =	strace $0x8FFFFFFF  }
0x98: {  	s19 =	sld [smem:$0x3FDB];
	_ =	sdelay $0x1  }
0x99: {  	s4 =	simm.s32 $_scs_section_size  }
0x9a: {  	s5 =	simm.s32 $_size__tile_overlayer_lowered;
	s6 =	simm.s32 $_tile_overlayer_lowered  }
0x9b: {  	s22 =	simm.s32 $0x1BFF;
	s21 =	sshll.u32 s6, $0x1;
	s3 =	sadd.s32 s4, s19  }
0x9c: {  	s7 =	simm.s32 $0x0;
	s20 =	sshll.u32 s5, $0x1;
	s5 =	sadd.s32 s21, s3  }
0x9d: {  	[timem:s7], [sflag:s22] =	dma.local [hbm:s5], s20  }
0x9e: {  	_ =	swait.ge [sflag:s22], s20  }
0x9f: {  	s4 =	ssub.s32 $0x0, s20;
	[sflag:s22] =	ssyncset.done $0x0  }
0xa0: {  	[sflag:s22] =	ssyncadd.s32 s4;
	_ =	sdelay $0x1  }
0xa1: {  	s23 =	simm.s32 $0x1B8B  }
0xa2: {  	_ =	swait.ge [sflag:s23], $0x1  }
0xa3: {  	[sflag:s23] =	ssyncset.done $0x0  }
0xa4: {  	s25 =	simm.s32 $0x1B8E;
	s24 =	sld [smem:$0x3FFE];
	[sflag:s23] =	ssyncadd.s32 $0xFFFFFFFF  }
0xa5: {  	s26 =	simm.s32 $execute0_lowered;
	[smem:$0x3FD2] =	sst s25  }
0xa6: {  	s5 =	sshll.u32 s26, $0x1;
	_ =	strace $0x80000055;
	[dreg:$0x1] =	wrdreg $0xFFFFFFFF  }
0xa7: {  	s28 =	simm.s32 $_size_execute0_lowered;
	s3 =	sadd.s32 s3, s5;
	[dreg:$0x0] =	wrdreg $0x0  }
0xa8: {  	s5 =	sshll.u32 s28, $0x1;
	[dreg:$0x2] =	wrdreg s3  }
0xa9: {  	[dreg:$0x3] =	wrdreg s5  }
0xaa: {  	[dreg:$0x4] =	wrdreg $0xC0  }
0xab: {  	_ =	task [dreg:s7], $0x5FFFF  }
0xac: {  	[dreg:$0x1] =	wrdreg $0xFFFFFFFF  }
0xad: {  	[dreg:$0x0] =	wrdreg $0x60  }
0xae: {  	[dreg:$0x2] =	wrdreg s2  }
0xaf: {  	[dreg:$0x3] =	wrdreg s24  }
0xb0: {  	[dreg:$0x4] =	wrdreg $0xA8000  }
0xb1: {  	[dreg:$0x5] =	wrdreg $0x9  }
0xb2: {  	_ =	task.clear_ibuf [dreg:s7], $0x6FFFF;
	_ =	strace $0x90000055  }
0xb3: {  	s29 =	simm.s32 $0x9;
	_ =	strace $0x80000057  }
0xb4: {  	_ =	swait.ge [sflag:s29], $0x1  }
0xb5: {  	[sflag:s29] =	ssyncadd.s32 $0xFFFFFFFF  }
0xb6: {  	_ =	strace $0x90000057  }
0xb7: {  	_ =	sfence  }
0xb8: {  	s30 =	sld [smem:$0x0];
	_ =	sdelay $0x2  }
0xb9: {  	s31 =	sshll.u32 s1, $0xD;
	s1 =	sshrl.u32 s1, $0x2  }
0xba: {  	s3 =	sand.u32 $0x4000, s31;
	s1 =	sadd.s32 s1, s30  }
0xbb: {  	s0 =	sor.u32 s3, s0;
	s1 =	sshll.u32 s1, $0x11  }
0xbc: {  	s0 =	sor.u32 s1, s0  }
0xbd: {  	s0 =	sadd.s32 $0x8F2B, s0  }
0xbe: {  	[sflag:s0] =	ssyncadd.remote.s32 $0x1  }
0xbf: {  	_ =	sfence.sel $0xFFFF  }
0xc0: {  	[dreg:$0x0] =	wrdreg $0xFFFFFFFF;
	(pc) =	sbr.abs _section_cstart, $3  }
0xc1: {  	[dreg:$0x1] =	wrdreg $0xFFFFFFFF  }
0xc2: {  	_ =	task.clear_ibuf [dreg:s7], $0x2FFFF;
	_ =	strace $0x9FFFFFFF  }
0xc3: {  	(tm) =	ssettm $0x7FFFFFFF  }
tec
execute0_lowered:
.L_overlay_start_1:
0x0: {  	(tag) =	ssettag $0x1  }
0x1: {  	s1 =	rddreg [dreg:$0x0]  }
0x2: {  	s6 =	rddreg [dreg:$0x1]  }
0x3: {  	s3 =	rddreg [dreg:$0x2]  }
0x4: {  	s0 =	rddreg [dreg:$0x3];
	s5 =	srdreg.scid  }
0x5: {  	s4 =	simm.s32 $0x0;
	s2 =	stileid.u32;
	s14 =	simm.s32 $0x50  }
0x6: {  	s15 =	simm.s32 $0x8000;
	s16 =	simm.s32 $0x1;
	s17 =	simm.s32 $0x0  }
0x7: {  	s5 =	sand.u32 $0x1, s5;
	s7 =	sshll.u32 s2, $0xC;
	s9 =	smul.u32 $0x2800, s2  }
0x8: {  	[smem:$0x7FF] =	sst s4;
	s11 =	smul.u32 $0x50000, s2;
	s12 =	sshll.u32 s2, $0x6  }
0x9: {  	s8 =	sshll.u32 s5, $0xB;
	s29 =	smul.u32 $0x28000, s5;
	_ =	strace $0x80000056  }
0xa: {  	s10 =	ssub.s32 $0x2, s5;
	s5 =	sadd.s32 $0xDE400, s6;
	s12 =	sor.u32 $0x1C02, s12  }
0xb: {  	s7 =	sor.u32 s8, s7;
	s30 =	sshrl.u32 s10, $0x1;
	s31 =	sshrl.u32 s11, $0x2  }
0xc: {  	s11 =	simm.s32 $0x4000;
	s7 =	sadd.s32 s7, s6;
	s8 =	sadd.s32 s9, s29  }
0xd: {  	s9 =	ssub.s32 s10, s30;
	s13 =	sadd.s32 s31, s3;
	s10 =	simm.s32 $0x2  }
0xe: {  	s8 =	sadd.s32 s8, s6;
	s6 =	sadd.s32 $0xBE400, s7;
	s7 =	sadd.s32 $0xCE400, s7  }
0xf: {  	s9 =	smax.u32 s9, $0x1;
	s13 =	sshrl.u32 s13, $0x3;
	s8 =	sadd.s32 $0x53800, s8  }
.LBB2_1:
0x10: {  	[tilespmem:s4], [sflag:$0x2] =	stream.linear.gather [hbm4b:s6+s4], $0x3E80, $0x38;
	[tilespmem:$0x1E800] =	vst v63  }
0x11: {  	_ =	swait.ge [sflag:s10], $0x3E80  }
0x12: {  	[sflag:s10] =	ssyncset.done $0x0  }
0x13: {  	[sflag:s10] =	ssyncadd.s32 $0xFFFFC180  }
0x14: {  	[tilespmem:s11], [sflag:$0x2] =	stream.linear.gather [hbm4b:s7+s4], $0x3E80, $0x38;
	[tilespmem:$0x1E800] =	vst v63  }
0x15: {  	_ =	swait.ge [sflag:s10], $0x3E80  }
0x16: {  	[sflag:s10] =	ssyncset.done $0x0  }
0x17: {  	[sflag:s10] =	ssyncadd.s32 $0xFFFFC180  }
0x18: {  	[spmem:s13], [sflag:s12] =	dma.local [hbm:s5], $0x2800  }
0x19: {  	_ =	swait.ge [sflag:s10], $0x2800  }
0x1a: {  	[sflag:s10] =	ssyncset.done $0x0  }
0x1b: {  	[sflag:s10] =	ssyncadd.s32 $0xFFFFD800  }
0x1c: {  	s18 =	simm.s32 $0x0;
	[bflag:$0x0] =	sbarrier.arrive $0xFFFF  }
0x1d: {  	[tilespmem:s15], [sflag:$0x1] =	stream.indirect.gather [hbm4b:s1+s14], $0x80, s18, s14, $0xb8;
	[tilespmem:$0x1E800] =	vst v63  }
0x1e: {  	_ =	swait.ge [sflag:s16], $0x2800  }
0x1f: {  	[sflag:s16] =	ssyncset.done $0x0  }
0x20: {  	s31 =	simm.s32 $0x4000;
	[sflag:s16] =	ssyncadd.s32 $0xFFFFD800  }
0x21: {  	[spmem:s3] =	stream.indirect.scatter.add.f32 [tilespmem:s15], [sflag:$0x2], $0x80, s31, s14, $0xb8;
	[tilespmem:$0x1E800] =	vst v63  }
0x22: {  	_ =	swait.ge [sflag:s10], $0x2800  }
0x23: {  	s19 =	simm.s32 $0x400;
	s18 =	simm.s32 $0x200;
	[sflag:s10] =	ssyncset.done $0x0  }
.LBB2_2:
0x24: {  	s20 =	sshra.s32 s18, $0x2  }
0x25: {  	[sflag:s10] =	ssyncadd.s32 $0xFFFFD800;
	s18 =	smov.u32 s19;
	s21 =	sadd.s32 $0x200, s19  }
0x26: {  	[tilespmem:s15], [sflag:$0x1] =	stream.indirect.gather [hbm4b:s1+s14], $0x80, s20, s14, $0xb8;
	[tilespmem:$0x1E800] =	vst v63  }
0x27: {  	p0 =	sne.s32 s19, $0xF800;
	_ =	swait.ge [sflag:s16], $0x2800  }
.Ltmp0:
0x28: {  	[sflag:s16] =	ssyncset.done $0x0;
	(pc) =	sbr.rel @p0 .LBB2_2-.Ltmp0, $4  }
0x29: {  	s19 =	sadd.s32 $0x4000, s20;
	[sflag:s16] =	ssyncadd.s32 $0xFFFFD800  }
0x2a: {  	[spmem:s3] =	stream.indirect.scatter.add.f32 [tilespmem:s15], [sflag:$0x2], $0x80, s19, s14, $0xb8;
	[tilespmem:$0x1E800] =	vst v63  }
0x2b: {  	_ =	swait.ge [sflag:s10], $0x2800  }
0x2c: {  	s19 =	smov.u32 s21;
	[sflag:s10] =	ssyncset.done $0x0  }
0x2d: {  	s18 =	sshra.s32 s18, $0x2;
	[sflag:s10] =	ssyncadd.s32 $0xFFFFD800  }
0x2e: {  	[tilespmem:s15], [sflag:$0x1] =	stream.indirect.gather [hbm4b:s1+s14], $0x80, s18, s14, $0xb8;
	[tilespmem:$0x1E800] =	vst v63  }
0x2f: {  	_ =	swait.ge [sflag:s16], $0x2800  }
0x30: {  	[sflag:s16] =	ssyncset.done $0x0  }
0x31: {  	s18 =	sadd.s32 $0x4000, s18;
	[sflag:s16] =	ssyncadd.s32 $0xFFFFD800  }
0x32: {  	[spmem:s3] =	stream.indirect.scatter.add.f32 [tilespmem:s15], [sflag:$0x2], $0x80, s18, s14, $0xb8;
	[tilespmem:$0x1E800] =	vst v63  }
0x33: {  	_ =	swait.ge [sflag:s10], $0x2800  }
0x34: {  	s17 =	sadd.s32 $0x1, s17;
	[sflag:s10] =	ssyncset.done $0x0  }
0x35: {  	p0 =	sne.s32 s17, s9;
	[sflag:s10] =	ssyncadd.s32 $0xFFFFD800  }
.Ltmp1:
0x36: {  	[bflag:$0x0] =	sbarrier.arrive $0xFFFF;
	(pc) =	sbr.rel @p0 .LBB2_1-.Ltmp1, $4  }
0x37: {  	[hbm:s8], [sflag:s12] =	dma.local [spmem:s13], $0x2800  }
0x38: {  	_ =	swait.ge [sflag:s10], $0x2800  }
0x39: {  	[sflag:s10] =	ssyncset.done $0x0  }
0x3a: {  	[sflag:s10] =	ssyncadd.s32 $0xFFFFD800  }
0x3b: {  	_ =	sfence.sel $0x180000  }
0x3c: {  	[bflag:$0x0] =	sbarrier.arrive $0xFFFF  }
0x3d: {  	p0 =	sne.s32 s2, $0x0;
	_ =	strace $0x90000056  }
0x3e: {  	s0 =	sadd.s32 @!p0 $0x100000, s0;
	[bflag:$0x2] =	sbarrier.arrive $0xFFFF  }
0x3f: {  	[sflag:s0] =	ssyncadd.tile.s32 @!p0 $0x1;
	_ =	shalt  }
.Lfunc_end2:
_tile_overlayer_lowered:
.L_overlay_start_2:
0x40: {  	(tag) =	ssettag $0x2  }
0x41: {  	s0 =	rddreg [dreg:$0x0];
	s2 =	stileid.u32  }
0x42: {  	s1 =	rddreg [dreg:$0x1];
	p0 =	sne.s32 s2, $0x0  }
0x43: {  	s3 =	rddreg [dreg:$0x2];
	[bflag:$0x3] =	sbarrier.arrive $0xFFFF;
	s2 =	simm.s32 @!p0 $0x1C02  }
0x44: {  	[timem:s3], [sflag:s2] =	dma.local @!p0 [hbm:s0], s1  }
0x45: {  	s0 =	simm.s32 @!p0 $0x2  }
0x46: {  	_ =	swait.ge @!p0 [sflag:s0], s1  }
0x47: {  	s1 =	ssub.s32 @!p0 $0x0, s1;
	[sflag:s0] =	ssyncset.done @!p0 $0x0  }
0x48: {  	[sflag:s0] =	ssyncadd.s32 @!p0 s1  }
0x49: {  	[bflag:$0x3] =	sbarrier.arrive $0xFFFF  }
0x4a: {  	_ =	shalt  }

</sc_bundles>
